<compile_context>
chip_gen: v7x
topology: tpu7x:2x2x1
jax: 0.10.2.dev20260603
libtpu: 0.0.44.dev20260713+nightly
codegen_flags: <defaults>
</compile_context>

<pallas_src>
import functools

import jax
import jax.numpy as jnp
from jax.experimental import pallas as pl
from jax.experimental.pallas import tpu as pltpu
from jax.experimental.pallas import tpu_sc as plsc

_EPS = 1e-5
_NEG = -jnp.inf
_BIG = 1e30


def _p1_kernel(x_ref, ring_ref, waug_ref,
               omax_ref, gaug_ref, ocnt_ref, *, nring, cin, cout, bn):
    bi = pl.program_id(0)
    ni = pl.program_id(1)

    @pl.when((bi == 0) & (ni == 0))
    def _init_globals():
        gaug_ref[...] = jnp.zeros_like(gaug_ref)
        ocnt_ref[...] = jnp.zeros_like(ocnt_ref)

    @pl.when(ni == 0)
    def _init_batch():
        omax_ref[...] = jnp.full_like(omax_ref, _NEG)

    xb = x_ref[0]
    rb = ring_ref[0].astype(jnp.int32)
    rid = jax.lax.broadcasted_iota(jnp.int32, (nring, 1), 0)
    oh = (rb == rid).astype(jnp.float32)

    x_aug = jnp.concatenate([xb, oh], axis=0)
    y = jnp.dot(waug_ref[...], x_aug, preferred_element_type=jnp.float32)
    mx = jnp.max(y.reshape(nring, cout, bn), axis=2)
    omax_ref[0] = jnp.maximum(omax_ref[0], mx)

    xoh = (oh[:, None, :] * xb[None, :, :]).reshape(nring * cin, bn)
    gaug_ref[...] += jax.lax.dot_general(
        x_aug, xoh, (((1,), (1,)), ((), ())),
        preferred_element_type=jnp.float32)
    ocnt_ref[...] += jnp.sum(oh, axis=1).reshape(1, nring)


def _p2_kernel(omax_ref, gaug_ref, ocnt_ref, w_ref, b_ref,
               gamma_ref, beta_ref, m_out_ref, *, nring, cin, cout):
    cnt = ocnt_ref[...].reshape(nring, 1)
    cntc = jnp.maximum(cnt, 1.0)

    sy_cols = []
    ssq_cols = []
    for r in range(nring):
        wr = w_ref[r * cout:(r + 1) * cout, :]
        gr = gaug_ref[0:cin, r * cin:(r + 1) * cin]
        sxr = gaug_ref[cin + r:cin + r + 1, r * cin:(r + 1) * cin]
        sy_cols.append(jax.lax.dot_general(
            wr, sxr, (((1,), (1,)), ((), ())),
            preferred_element_type=jnp.float32))
        hr = jnp.dot(wr, gr, preferred_element_type=jnp.float32)
        ssq_cols.append(jnp.sum(hr * wr, axis=1, keepdims=True))
    sy = jnp.sum(jnp.concatenate(sy_cols, axis=0), axis=1).reshape(nring, cout)
    ssq = jnp.sum(jnp.concatenate(ssq_cols, axis=0), axis=1).reshape(nring, cout)

    bb = b_ref[...]
    mean = (sy + cnt * bb) / cntc
    ssq_b = ssq + 2.0 * bb * sy + cnt * bb * bb
    var = jnp.maximum(ssq_b / cntc - mean * mean, 0.0)
    rstd = jax.lax.rsqrt(var + _EPS)
    gm = gamma_ref[...]
    bt = beta_ref[...]

    mx = omax_ref[...]
    mtab = (mx + bb[None] - mean[None]) * (rstd * gm)[None] + bt[None]
    m_out_ref[...] = jnp.where(mx < -1e29, 0.0, mtab)


def _p3_kernel(ring_ref, m_ref, out_ref, *, nring):
    rb = ring_ref[0].astype(jnp.int32)
    rid = jax.lax.broadcasted_iota(jnp.int32, (nring, 1), 0)
    oh = (rb == rid).astype(jnp.float32)
    mb = m_ref[0]
    out_ref[0] = jax.lax.dot_general(
        mb, oh, (((0,), (0,)), ((), ())),
        preferred_element_type=jnp.float32)


def _make_sc_restore(B, R, CO, N):
    NC = 2
    CGRP = CO // 4
    NCHUNK = 2048
    mesh = plsc.VectorSubcoreMesh(core_axis_name="c", subcore_axis_name="s")

    @functools.partial(
        pl.kernel, mesh=mesh,
        out_type=jax.ShapeDtypeStruct((B, CO, N), jnp.float32),
        scratch_types=[
            pltpu.VMEM((R * CO,), jnp.float32),
            pltpu.VMEM((NCHUNK,), jnp.float32),
            pltpu.VMEM((CGRP, NCHUNK), jnp.float32),
        ],
    )
    def sc_restore(mtab_hbm, ring_hbm, out_hbm, mb_v, ring_v, out_v):
        wid = jax.lax.axis_index("s") * NC + jax.lax.axis_index("c")
        bsel = wid // 4
        c0 = (wid % 4) * CGRP
        pltpu.sync_copy(mtab_hbm.at[bsel], mb_v)

        def nloop(nc, carry):
            pltpu.sync_copy(ring_hbm.at[bsel, pl.ds(nc * NCHUNK, NCHUNK)],
                            ring_v)

            dnums = jax.lax.GatherDimensionNumbers(
                offset_dims=(), collapsed_slice_dims=(0,),
                start_index_map=(0,))

            def jloop(j, carry2):
                ri = ring_v[pl.ds(j * 16, 16)].astype(jnp.int32)
                for cc in range(CGRP):
                    tabv = mb_v[pl.ds((c0 + cc) * R, R)]
                    out_v[cc, pl.ds(j * 16, 16)] = jax.lax.gather(
                        tabv, ri[:, None], dnums, slice_sizes=(1,),
                        mode=jax.lax.GatherScatterMode.PROMISE_IN_BOUNDS)
                return carry2

            jax.lax.fori_loop(0, NCHUNK // 16, jloop, 0)
            pltpu.sync_copy(
                out_v,
                out_hbm.at[bsel, pl.ds(c0, CGRP), pl.ds(nc * NCHUNK, NCHUNK)])
            return carry

        jax.lax.fori_loop(0, N // NCHUNK, nloop, 0)

    return sc_restore


@jax.jit
def kernel(x, ring, W, b, gamma, beta):
    B, CIN, N = x.shape
    R, CO, _ = W.shape
    BN1 = 1024
    BN3 = 2048
    w_all = W.reshape(R * CO, CIN)
    ring3 = ring.reshape(B, 1, N)
    cmat = (jnp.eye(R, dtype=jnp.float32) - 1.0) * _BIG
    w_aug = jnp.concatenate([w_all, jnp.repeat(cmat, CO, axis=0)], axis=1)

    grid1 = (B, N // BN1)
    omax, gaug, ocnt = pl.pallas_call(
        functools.partial(_p1_kernel, nring=R, cin=CIN, cout=CO, bn=BN1),
        grid=grid1,
        in_specs=[
            pl.BlockSpec((1, CIN, BN1), lambda bi, ni: (bi, 0, ni)),
            pl.BlockSpec((1, 1, BN1), lambda bi, ni: (bi, 0, ni)),
            pl.BlockSpec((R * CO, CIN + R), lambda bi, ni: (0, 0)),
        ],
        out_specs=[
            pl.BlockSpec((1, R, CO), lambda bi, ni: (bi, 0, 0)),
            pl.BlockSpec((CIN + R, R * CIN), lambda bi, ni: (0, 0)),
            pl.BlockSpec((1, R), lambda bi, ni: (0, 0)),
        ],
        out_shape=[
            jax.ShapeDtypeStruct((B, R, CO), jnp.float32),
            jax.ShapeDtypeStruct((CIN + R, R * CIN), jnp.float32),
            jax.ShapeDtypeStruct((1, R), jnp.float32),
        ],
        compiler_params=pltpu.CompilerParams(
            dimension_semantics=("arbitrary", "arbitrary")),
    )(x, ring3, w_aug)

    mtab = pl.pallas_call(
        functools.partial(_p2_kernel, nring=R, cin=CIN, cout=CO),
        out_shape=jax.ShapeDtypeStruct((B, R, CO), jnp.float32),
    )(omax, gaug, ocnt, w_all, b, gamma, beta)

    mtab_t = mtab.transpose(0, 2, 1).reshape(B, CO * R)
    out = _make_sc_restore(B, R, CO, N)(mtab_t, ring)
    return out

# --- scband reference (transcript-rebuilt; emitter-appended) ---
"""Pipeline reference for scband-maxpooler-ring-79585743994952 (READ-ONLY COPY).

The authoritative reference and input builder live on the scoring server;
editing this copy changes nothing except your own understanding.
"""

import jax, jax.numpy as jnp
import numpy as np

NUM_RING = 16
B, C_IN, N, C_OUT = 8, 64, 16384, 128
EPS = 1e-5


def setup_inputs(seed: int = 0) -> dict:
    key = jax.random.key(seed)
    k1, k2, k3 = jax.random.split(key, 3)
    x = jax.random.normal(k1, (B, C_IN, N), dtype=jnp.float32)
    # ring ids are stored as float32 (they get concatenated to float features in the
    # original torch code) but hold integer values in [0, NUM_RING)
    ring = jax.random.randint(k2, (B, N), 0, NUM_RING).astype(jnp.float32)
    # per-ring Conv1d(64,128,1) == per-point linear 64->128
    W = jax.random.normal(k3, (NUM_RING, C_OUT, C_IN), dtype=jnp.float32) / np.sqrt(C_IN)
    b = jnp.zeros((NUM_RING, C_OUT), dtype=jnp.float32)
    # BatchNorm1d(128) affine params (training-mode batch stats are computed in forward)
    gamma = jnp.ones((NUM_RING, C_OUT), dtype=jnp.float32)
    beta = jnp.zeros((NUM_RING, C_OUT), dtype=jnp.float32)
    return {"x": x, "ring": ring, "W": W, "b": b, "gamma": gamma, "beta": beta}


def _forward(x, ring_i, W, b, gamma, beta):
    # x: [B, 64, N]; ring_i: int [B, N]
    Bq, Cq, Nq = x.shape
    xt = jnp.transpose(x, (0, 2, 1))  # [B, N, 64]
    out = jnp.zeros((Bq, Nq, W.shape[1]), dtype=x.dtype)
    for r in range(W.shape[0]):
        m = (ring_i == r)[..., None]  # [B, N, 1]
        mf = m.astype(x.dtype)
        # conv1d(64,128,1) applied to this ring's points (masked-equivalent)
        y = jnp.einsum('bnc,oc->bno', xt, W[r]) + b[r]  # [B, N, 128]
        # BatchNorm1d training-mode stats over ALL points of ring r (across batches),
        # matching the original: BN sees shape [1, 128, M_r]
        cnt = jnp.maximum(jnp.sum(mf), 1.0)
        mean = jnp.sum(y * mf, axis=(0, 1)) / cnt
        var = jnp.sum(((y - mean) ** 2) * mf, axis=(0, 1)) / cnt
        yn = (y - mean) / jnp.sqrt(var + EPS) * gamma[r] + beta[r]
        # per-(batch, ring) segment max, broadcast back to each point of the segment
        ymasked = jnp.where(m, yn, -jnp.inf)
        mx = jnp.max(ymasked, axis=1, keepdims=True)  # [B, 1, 128]
        out = out + jnp.where(m, jnp.broadcast_to(mx, out.shape), 0.0)
    return jnp.transpose(out, (0, 2, 1))  # [B, 128, N]


def reference(x, ring, W, b, gamma, beta):
    return _forward(x, ring.astype(jnp.int32), W, b, gamma, beta)

if __name__ == "__main__":
    import jax
    _d = setup_inputs()
    print(jax.jit(kernel)(*tuple(_d.values())))

</pallas_src>

<mosaic_0001>
#map = affine_map<(d0, d1) -> (0, 0)>
#map1 = affine_map<(d0, d1) -> (0, 0, 0)>
module attributes {stable_mosaic.version = 14 : i64} {
  func.func @sc_restore(%arg0: i32, %arg1: i32, %arg2: memref<8x2048xf32, #tpu.memory_space<hbm>>, %arg3: memref<8x16384xf32, #tpu.memory_space<hbm>>, %arg4: memref<8x128x16384xf32, #tpu.memory_space<hbm>>, %arg5: memref<2048xf32, #tpu.memory_space<vmem>>, %arg6: memref<2048xf32, #tpu.memory_space<vmem>>, %arg7: memref<32x2048xf32, #tpu.memory_space<vmem>>) attributes {dimension_semantics = [#tpu.dimension_semantics<core_parallel>, #tpu.dimension_semantics<subcore_parallel>], iteration_bounds = array<i64: 2, 16>, scalar_prefetch = 0 : i64, scratch_operands = 3 : i64, tpu.core_type = #tpu.core_type<sc_vector_subcore>, window_params = [{transform_indices = #map}, {transform_indices = #map}, {transform_indices = #map1}]} {
    %mul3A = arith.constant 2 : i32
    %mul3A_0 = arith.muli %arg1, %mul3A : i32
    %add3A = arith.addi %mul3A_0, %arg0 : i32
    %jit3A = arith.constant 4 : i32
    %div3A = arith.divsi %add3A, %jit3A : i32
    %sign3A = arith.constant 0 : i32
    %sign3A_1 = arith.cmpi sgt, %add3A, %sign3A : i32
    %sign3A_2 = arith.extui %sign3A_1 : i1 to i32
    %sign3A_3 = arith.constant 0 : i32
    %sign3A_4 = arith.cmpi slt, %add3A, %sign3A_3 : i32
    %sign3A_5 = arith.extui %sign3A_4 : i1 to i32
    %sign3A_6 = arith.subi %sign3A_2, %sign3A_5 : i32
    %sign3A_7 = arith.constant 0 : i32
    %sign3A_8 = arith.cmpi sgt, %jit3A, %sign3A_7 : i32
    %sign3A_9 = arith.extui %sign3A_8 : i1 to i32
    %sign3A_10 = arith.constant 0 : i32
    %sign3A_11 = arith.cmpi slt, %jit3A, %sign3A_10 : i32
    %sign3A_12 = arith.extui %sign3A_11 : i1 to i32
    %sign3A_13 = arith.subi %sign3A_9, %sign3A_12 : i32
    %ne3A = arith.cmpi ne, %sign3A_6, %sign3A_13 : i32
    %rem3A = arith.remsi %add3A, %jit3A : i32
    %ne3A_14 = arith.constant 0 : i32
    %ne3A_15 = arith.cmpi ne, %rem3A, %ne3A_14 : i32
    %and3A = arith.andi %ne3A, %ne3A_15 : i1
    %sub3A = arith.constant 1 : i32
    %sub3A_16 = arith.subi %div3A, %sub3A : i32
    %select_n3A = arith.select %and3A, %sub3A_16, %div3A : i32
    %jit3A_17 = arith.constant 4 : i32
    %eq3A = arith.constant 0 : i32
    %eq3A_18 = arith.cmpi eq, %jit3A_17, %eq3A : i32
    %jit3A_19 = arith.constant 1 : i32
    %select_n3A_20 = arith.select %eq3A_18, %jit3A_19, %jit3A_17 : i32
    %rem3A_21 = arith.remsi %add3A, %select_n3A_20 : i32
    %ne3A_22 = arith.constant 0 : i32
    %ne3A_23 = arith.cmpi ne, %rem3A_21, %ne3A_22 : i32
    %lt3A = arith.constant 0 : i32
    %lt3A_24 = arith.cmpi slt, %rem3A_21, %lt3A : i32
    %lt3A_25 = arith.constant 0 : i32
    %lt3A_26 = arith.cmpi slt, %select_n3A_20, %lt3A_25 : i32
    %ne3A_27 = arith.xori %lt3A_24, %lt3A_26 : i1
    %and3A_28 = arith.andi %ne3A_27, %ne3A_23 : i1
    %add3A_29 = arith.addi %rem3A_21, %select_n3A_20 : i32
    %select_n3A_30 = arith.select %and3A_28, %add3A_29, %rem3A_21 : i32
    %mul3A_31 = arith.constant 32 : i32
    %mul3A_32 = arith.muli %select_n3A_30, %mul3A_31 : i32
    "tpu.region"() ({
      %run_scoped3A = tpu.sem_alloc : memref<!tpu.dma_semaphore, #tpu.memory_space<semaphore_mem>>
      %dma_start3A = arith.constant 0 : i32
      %dma_start3A_38 = tpu.memref_slice %arg2[%select_n3A, %dma_start3A] : memref<8x2048xf32, #tpu.memory_space<hbm>> -> memref<1x2048xf32, #tpu.memory_space<hbm>>
      %dma_start3A_39 = tpu.memref_squeeze %dma_start3A_38 : memref<1x2048xf32, #tpu.memory_space<hbm>> -> memref<2048xf32, #tpu.memory_space<hbm>>
      %dma_start3A_40 = arith.constant 0 : i32
      %dma_start3A_41 = tpu.memref_slice %arg2[%select_n3A, %dma_start3A_40] : memref<8x2048xf32, #tpu.memory_space<hbm>> -> memref<1x2048xf32, #tpu.memory_space<hbm>>
      %dma_start3A_42 = tpu.memref_squeeze %dma_start3A_41 : memref<1x2048xf32, #tpu.memory_space<hbm>> -> memref<2048xf32, #tpu.memory_space<hbm>>
      tpu.enqueue_dma source(%dma_start3A_42 : memref<2048xf32, #tpu.memory_space<hbm>>) target(%arg5 : memref<2048xf32, #tpu.memory_space<vmem>>) target_semaphore(%run_scoped3A : memref<!tpu.dma_semaphore, #tpu.memory_space<semaphore_mem>>)
      %dma_wait3A = arith.constant 0 : i32
      %dma_wait3A_43 = tpu.memref_slice %arg2[%select_n3A, %dma_wait3A] : memref<8x2048xf32, #tpu.memory_space<hbm>> -> memref<1x2048xf32, #tpu.memory_space<hbm>>
      %dma_wait3A_44 = tpu.memref_squeeze %dma_wait3A_43 : memref<1x2048xf32, #tpu.memory_space<hbm>> -> memref<2048xf32, #tpu.memory_space<hbm>>
      %dma_wait3A_45 = arith.constant 0 : i32
      %dma_wait3A_46 = tpu.memref_slice %arg2[%select_n3A, %dma_wait3A_45] : memref<8x2048xf32, #tpu.memory_space<hbm>> -> memref<1x2048xf32, #tpu.memory_space<hbm>>
      %dma_wait3A_47 = tpu.memref_squeeze %dma_wait3A_46 : memref<1x2048xf32, #tpu.memory_space<hbm>> -> memref<2048xf32, #tpu.memory_space<hbm>>
      tpu.wait_dma2 semaphore(%run_scoped3A : memref<!tpu.dma_semaphore, #tpu.memory_space<semaphore_mem>>) src(%dma_wait3A_47 : memref<2048xf32, #tpu.memory_space<hbm>>) dst(%arg5 : memref<2048xf32, #tpu.memory_space<vmem>>)
      tpu.yield
    }) : () -> ()
    %scan3A = arith.constant 0 : i32
    %scan3A_33 = arith.constant 0 : i32
    %scan3A_34 = arith.constant 8 : i32
    %scan3A_35 = arith.addi %scan3A_33, %scan3A_34 : i32
    %scan3A_36 = arith.constant 1 : i32
    scf.for %scan3A_38 = %scan3A_33 to %scan3A_35 step %scan3A_36  : i32 {
      %mul3A_39 = arith.constant 2048 : i32
      %mul3A_40 = arith.muli %scan3A_38, %mul3A_39 : i32
      "tpu.region"() ({
        %run_scoped3A = tpu.sem_alloc : memref<!tpu.dma_semaphore, #tpu.memory_space<semaphore_mem>>
        %dma_start3A = tpu.memref_slice %arg3[%select_n3A, %mul3A_40] : memref<8x16384xf32, #tpu.memory_space<hbm>> -> memref<1x2048xf32, #tpu.memory_space<hbm>>
        %dma_start3A_49 = tpu.memref_squeeze %dma_start3A : memref<1x2048xf32, #tpu.memory_space<hbm>> -> memref<2048xf32, #tpu.memory_space<hbm>>
        %dma_start3A_50 = tpu.memref_slice %arg3[%select_n3A, %mul3A_40] : memref<8x16384xf32, #tpu.memory_space<hbm>> -> memref<1x2048xf32, #tpu.memory_space<hbm>>
        %dma_start3A_51 = tpu.memref_squeeze %dma_start3A_50 : memref<1x2048xf32, #tpu.memory_space<hbm>> -> memref<2048xf32, #tpu.memory_space<hbm>>
        tpu.enqueue_dma source(%dma_start3A_51 : memref<2048xf32, #tpu.memory_space<hbm>>) target(%arg6 : memref<2048xf32, #tpu.memory_space<vmem>>) target_semaphore(%run_scoped3A : memref<!tpu.dma_semaphore, #tpu.memory_space<semaphore_mem>>)
        %dma_wait3A = tpu.memref_slice %arg3[%select_n3A, %mul3A_40] : memref<8x16384xf32, #tpu.memory_space<hbm>> -> memref<1x2048xf32, #tpu.memory_space<hbm>>
        %dma_wait3A_52 = tpu.memref_squeeze %dma_wait3A : memref<1x2048xf32, #tpu.memory_space<hbm>> -> memref<2048xf32, #tpu.memory_space<hbm>>
        %dma_wait3A_53 = tpu.memref_slice %arg3[%select_n3A, %mul3A_40] : memref<8x16384xf32, #tpu.memory_space<hbm>> -> memref<1x2048xf32, #tpu.memory_space<hbm>>
        %dma_wait3A_54 = tpu.memref_squeeze %dma_wait3A_53 : memref<1x2048xf32, #tpu.memory_space<hbm>> -> memref<2048xf32, #tpu.memory_space<hbm>>
        tpu.wait_dma2 semaphore(%run_scoped3A : memref<!tpu.dma_semaphore, #tpu.memory_space<semaphore_mem>>) src(%dma_wait3A_54 : memref<2048xf32, #tpu.memory_space<hbm>>) dst(%arg6 : memref<2048xf32, #tpu.memory_space<vmem>>)
        tpu.yield
      }) : () -> ()
      %scan3A_41 = arith.constant 0 : i32
      %scan3A_42 = arith.constant 0 : i32
      %scan3A_43 = arith.constant 128 : i32
      %scan3A_44 = arith.addi %scan3A_42, %scan3A_43 : i32
      %scan3A_45 = arith.constant 1 : i32
      scf.for %scan3A_49 = %scan3A_42 to %scan3A_44 step %scan3A_45  : i32 {
        %mul3A_50 = arith.constant 16 : i32
        %mul3A_51 = arith.muli %scan3A_49, %mul3A_50 : i32
        %get3A = arith.index_cast %mul3A_51 : i32 to index
        %get3A_52 = tpu.vector_load %arg6[%get3A] {strides = array<i32>} : memref<2048xf32, #tpu.memory_space<vmem>>, vector<16xf32>,
        %get3A_53 = vector.shape_cast %get3A_52 : vector<16xf32> to vector<16xf32>
        %convert_element_type3A = arith.fptosi %get3A_53 : vector<16xf32> to vector<16xi32>
        %add3A_54 = arith.constant 0 : i32
        %add3A_55 = arith.addi %mul3A_32, %add3A_54 : i32
        %mul3A_56 = arith.constant 16 : i32
        %mul3A_57 = arith.muli %add3A_55, %mul3A_56 : i32
        %get3A_58 = arith.index_cast %mul3A_57 : i32 to index
        %get3A_59 = tpu.vector_load %arg5[%get3A_58] {strides = array<i32>} : memref<2048xf32, #tpu.memory_space<vmem>>, vector<16xf32>,
        %get3A_60 = vector.shape_cast %get3A_59 : vector<16xf32> to vector<16xf32>
        %broadcast_in_dim3A = vector.shape_cast %convert_element_type3A : vector<16xi32> to vector<16x1xi32>
        %gather3A = vector.shape_cast %broadcast_in_dim3A : vector<16x1xi32> to vector<16xi32>
        %gather3A_61 = tpu.dynamic_gather %get3A_60[%gather3A] in [0] : vector<16xf32>, vector<16xi32> -> vector<16xf32>
        %mul3A_62 = arith.constant 16 : i32
        %mul3A_63 = arith.muli %scan3A_49, %mul3A_62 : i32
        %swap3A = arith.constant 0 : i32
        %swap3A_64 = arith.index_cast %swap3A : i32 to index
        %swap3A_65 = arith.index_cast %mul3A_63 : i32 to index
        %swap3A_66 = tpu.vector_load %arg7[%swap3A_64, %swap3A_65] {strides = array<i32>} : memref<32x2048xf32, #tpu.memory_space<vmem>>, vector<1x16xf32>,
        %swap3A_67 = vector.shape_cast %swap3A_66 : vector<1x16xf32> to vector<16xf32>
        %swap3A_68 = vector.shape_cast %gather3A_61 : vector<16xf32> to vector<1x16xf32>
        tpu.vector_store %arg7[%swap3A_64, %swap3A_65], %swap3A_68 {strides = array<i32>} : memref<32x2048xf32, #tpu.memory_space<vmem>>, vector<1x16xf32>,
        %add3A_69 = arith.constant 1 : i32
        %add3A_70 = arith.addi %mul3A_32, %add3A_69 : i32
        %mul3A_71 = arith.constant 16 : i32
        %mul3A_72 = arith.muli %add3A_70, %mul3A_71 : i32
        %get3A_73 = arith.index_cast %mul3A_72 : i32 to index
        %get3A_74 = tpu.vector_load %arg5[%get3A_73] {strides = array<i32>} : memref<2048xf32, #tpu.memory_space<vmem>>, vector<16xf32>,
        %get3A_75 = vector.shape_cast %get3A_74 : vector<16xf32> to vector<16xf32>
        %broadcast_in_dim3A_76 = vector.shape_cast %convert_element_type3A : vector<16xi32> to vector<16x1xi32>
        %gather3A_77 = vector.shape_cast %broadcast_in_dim3A_76 : vector<16x1xi32> to vector<16xi32>
        %gather3A_78 = tpu.dynamic_gather %get3A_75[%gather3A_77] in [0] : vector<16xf32>, vector<16xi32> -> vector<16xf32>
        %mul3A_79 = arith.constant 16 : i32
        %mul3A_80 = arith.muli %scan3A_49, %mul3A_79 : i32
        %swap3A_81 = arith.constant 1 : i32
        %swap3A_82 = arith.index_cast %swap3A_81 : i32 to index
        %swap3A_83 = arith.index_cast %mul3A_80 : i32 to index
        %swap3A_84 = tpu.vector_load %arg7[%swap3A_82, %swap3A_83] {strides = array<i32>} : memref<32x2048xf32, #tpu.memory_space<vmem>>, vector<1x16xf32>,
        %swap3A_85 = vector.shape_cast %swap3A_84 : vector<1x16xf32> to vector<16xf32>
        %swap3A_86 = vector.shape_cast %gather3A_78 : vector<16xf32> to vector<1x16xf32>
        tpu.vector_store %arg7[%swap3A_82, %swap3A_83], %swap3A_86 {strides = array<i32>} : memref<32x2048xf32, #tpu.memory_space<vmem>>, vector<1x16xf32>,
        %add3A_87 = arith.constant 2 : i32
        %add3A_88 = arith.addi %mul3A_32, %add3A_87 : i32
        %mul3A_89 = arith.constant 16 : i32
        %mul3A_90 = arith.muli %add3A_88, %mul3A_89 : i32
        %get3A_91 = arith.index_cast %mul3A_90 : i32 to index
        %get3A_92 = tpu.vector_load %arg5[%get3A_91] {strides = array<i32>} : memref<2048xf32, #tpu.memory_space<vmem>>, vector<16xf32>,
        %get3A_93 = vector.shape_cast %get3A_92 : vector<16xf32> to vector<16xf32>
        %broadcast_in_dim3A_94 = vector.shape_cast %convert_element_type3A : vector<16xi32> to vector<16x1xi32>
        %gather3A_95 = vector.shape_cast %broadcast_in_dim3A_94 : vector<16x1xi32> to vector<16xi32>
        %gather3A_96 = tpu.dynamic_gather %get3A_93[%gather3A_95] in [0] : vector<16xf32>, vector<16xi32> -> vector<16xf32>
        %mul3A_97 = arith.constant 16 : i32
        %mul3A_98 = arith.muli %scan3A_49, %mul3A_97 : i32
        %swap3A_99 = arith.constant 2 : i32
        %swap3A_100 = arith.index_cast %swap3A_99 : i32 to index
        %swap3A_101 = arith.index_cast %mul3A_98 : i32 to index
        %swap3A_102 = tpu.vector_load %arg7[%swap3A_100, %swap3A_101] {strides = array<i32>} : memref<32x2048xf32, #tpu.memory_space<vmem>>, vector<1x16xf32>,
        %swap3A_103 = vector.shape_cast %swap3A_102 : vector<1x16xf32> to vector<16xf32>
        %swap3A_104 = vector.shape_cast %gather3A_96 : vector<16xf32> to vector<1x16xf32>
        tpu.vector_store %arg7[%swap3A_100, %swap3A_101], %swap3A_104 {strides = array<i32>} : memref<32x2048xf32, #tpu.memory_space<vmem>>, vector<1x16xf32>,
        %add3A_105 = arith.constant 3 : i32
        %add3A_106 = arith.addi %mul3A_32, %add3A_105 : i32
        %mul3A_107 = arith.constant 16 : i32
        %mul3A_108 = arith.muli %add3A_106, %mul3A_107 : i32
        %get3A_109 = arith.index_cast %mul3A_108 : i32 to index
        %get3A_110 = tpu.vector_load %arg5[%get3A_109] {strides = array<i32>} : memref<2048xf32, #tpu.memory_space<vmem>>, vector<16xf32>,
        %get3A_111 = vector.shape_cast %get3A_110 : vector<16xf32> to vector<16xf32>
        %broadcast_in_dim3A_112 = vector.shape_cast %convert_element_type3A : vector<16xi32> to vector<16x1xi32>
        %gather3A_113 = vector.shape_cast %broadcast_in_dim3A_112 : vector<16x1xi32> to vector<16xi32>
        %gather3A_114 = tpu.dynamic_gather %get3A_111[%gather3A_113] in [0] : vector<16xf32>, vector<16xi32> -> vector<16xf32>
        %mul3A_115 = arith.constant 16 : i32
        %mul3A_116 = arith.muli %scan3A_49, %mul3A_115 : i32
        %swap3A_117 = arith.constant 3 : i32
        %swap3A_118 = arith.index_cast %swap3A_117 : i32 to index
        %swap3A_119 = arith.index_cast %mul3A_116 : i32 to index
        %swap3A_120 = tpu.vector_load %arg7[%swap3A_118, %swap3A_119] {strides = array<i32>} : memref<32x2048xf32, #tpu.memory_space<vmem>>, vector<1x16xf32>,
        %swap3A_121 = vector.shape_cast %swap3A_120 : vector<1x16xf32> to vector<16xf32>
        %swap3A_122 = vector.shape_cast %gather3A_114 : vector<16xf32> to vector<1x16xf32>
        tpu.vector_store %arg7[%swap3A_118, %swap3A_119], %swap3A_122 {strides = array<i32>} : memref<32x2048xf32, #tpu.memory_space<vmem>>, vector<1x16xf32>,
        %add3A_123 = arith.constant 4 : i32
        %add3A_124 = arith.addi %mul3A_32, %add3A_123 : i32
        %mul3A_125 = arith.constant 16 : i32
        %mul3A_126 = arith.muli %add3A_124, %mul3A_125 : i32
        %get3A_127 = arith.index_cast %mul3A_126 : i32 to index
        %get3A_128 = tpu.vector_load %arg5[%get3A_127] {strides = array<i32>} : memref<2048xf32, #tpu.memory_space<vmem>>, vector<16xf32>,
        %get3A_129 = vector.shape_cast %get3A_128 : vector<16xf32> to vector<16xf32>
        %broadcast_in_dim3A_130 = vector.shape_cast %convert_element_type3A : vector<16xi32> to vector<16x1xi32>
        %gather3A_131 = vector.shape_cast %broadcast_in_dim3A_130 : vector<16x1xi32> to vector<16xi32>
        %gather3A_132 = tpu.dynamic_gather %get3A_129[%gather3A_131] in [0] : vector<16xf32>, vector<16xi32> -> vector<16xf32>
        %mul3A_133 = arith.constant 16 : i32
        %mul3A_134 = arith.muli %scan3A_49, %mul3A_133 : i32
        %swap3A_135 = arith.constant 4 : i32
        %swap3A_136 = arith.index_cast %swap3A_135 : i32 to index
        %swap3A_137 = arith.index_cast %mul3A_134 : i32 to index
        %swap3A_138 = tpu.vector_load %arg7[%swap3A_136, %swap3A_137] {strides = array<i32>} : memref<32x2048xf32, #tpu.memory_space<vmem>>, vector<1x16xf32>,
        %swap3A_139 = vector.shape_cast %swap3A_138 : vector<1x16xf32> to vector<16xf32>
        %swap3A_140 = vector.shape_cast %gather3A_132 : vector<16xf32> to vector<1x16xf32>
        tpu.vector_store %arg7[%swap3A_136, %swap3A_137], %swap3A_140 {strides = array<i32>} : memref<32x2048xf32, #tpu.memory_space<vmem>>, vector<1x16xf32>,
        %add3A_141 = arith.constant 5 : i32
        %add3A_142 = arith.addi %mul3A_32, %add3A_141 : i32
        %mul3A_143 = arith.constant 16 : i32
        %mul3A_144 = arith.muli %add3A_142, %mul3A_143 : i32
        %get3A_145 = arith.index_cast %mul3A_144 : i32 to index
        %get3A_146 = tpu.vector_load %arg5[%get3A_145] {strides = array<i32>} : memref<2048xf32, #tpu.memory_space<vmem>>, vector<16xf32>,
        %get3A_147 = vector.shape_cast %get3A_146 : vector<16xf32> to vector<16xf32>
        %broadcast_in_dim3A_148 = vector.shape_cast %convert_element_type3A : vector<16xi32> to vector<16x1xi32>
        %gather3A_149 = vector.shape_cast %broadcast_in_dim3A_148 : vector<16x1xi32> to vector<16xi32>
        %gather3A_150 = tpu.dynamic_gather %get3A_147[%gather3A_149] in [0] : vector<16xf32>, vector<16xi32> -> vector<16xf32>
        %mul3A_151 = arith.constant 16 : i32
        %mul3A_152 = arith.muli %scan3A_49, %mul3A_151 : i32
        %swap3A_153 = arith.constant 5 : i32
        %swap3A_154 = arith.index_cast %swap3A_153 : i32 to index
        %swap3A_155 = arith.index_cast %mul3A_152 : i32 to index
        %swap3A_156 = tpu.vector_load %arg7[%swap3A_154, %swap3A_155] {strides = array<i32>} : memref<32x2048xf32, #tpu.memory_space<vmem>>, vector<1x16xf32>,
        %swap3A_157 = vector.shape_cast %swap3A_156 : vector<1x16xf32> to vector<16xf32>
        %swap3A_158 = vector.shape_cast %gather3A_150 : vector<16xf32> to vector<1x16xf32>
        tpu.vector_store %arg7[%swap3A_154, %swap3A_155], %swap3A_158 {strides = array<i32>} : memref<32x2048xf32, #tpu.memory_space<vmem>>, vector<1x16xf32>,
        %add3A_159 = arith.constant 6 : i32
        %add3A_160 = arith.addi %mul3A_32, %add3A_159 : i32
        %mul3A_161 = arith.constant 16 : i32
        %mul3A_162 = arith.muli %add3A_160, %mul3A_161 : i32
        %get3A_163 = arith.index_cast %mul3A_162 : i32 to index
        %get3A_164 = tpu.vector_load %arg5[%get3A_163] {strides = array<i32>} : memref<2048xf32, #tpu.memory_space<vmem>>, vector<16xf32>,
        %get3A_165 = vector.shape_cast %get3A_164 : vector<16xf32> to vector<16xf32>
        %broadcast_in_dim3A_166 = vector.shape_cast %convert_element_type3A : vector<16xi32> to vector<16x1xi32>
        %gather3A_167 = vector.shape_cast %broadcast_in_dim3A_166 : vector<16x1xi32> to vector<16xi32>
        %gather3A_168 = tpu.dynamic_gather %get3A_165[%gather3A_167] in [0] : vector<16xf32>, vector<16xi32> -> vector<16xf32>
        %mul3A_169 = arith.constant 16 : i32
        %mul3A_170 = arith.muli %scan3A_49, %mul3A_169 : i32
        %swap3A_171 = arith.constant 6 : i32
        %swap3A_172 = arith.index_cast %swap3A_171 : i32 to index
        %swap3A_173 = arith.index_cast %mul3A_170 : i32 to index
        %swap3A_174 = tpu.vector_load %arg7[%swap3A_172, %swap3A_173] {strides = array<i32>} : memref<32x2048xf32, #tpu.memory_space<vmem>>, vector<1x16xf32>,
        %swap3A_175 = vector.shape_cast %swap3A_174 : vector<1x16xf32> to vector<16xf32>
        %swap3A_176 = vector.shape_cast %gather3A_168 : vector<16xf32> to vector<1x16xf32>
        tpu.vector_store %arg7[%swap3A_172, %swap3A_173], %swap3A_176 {strides = array<i32>} : memref<32x2048xf32, #tpu.memory_space<vmem>>, vector<1x16xf32>,
        %add3A_177 = arith.constant 7 : i32
        %add3A_178 = arith.addi %mul3A_32, %add3A_177 : i32
        %mul3A_179 = arith.constant 16 : i32
        %mul3A_180 = arith.muli %add3A_178, %mul3A_179 : i32
        %get3A_181 = arith.index_cast %mul3A_180 : i32 to index
        %get3A_182 = tpu.vector_load %arg5[%get3A_181] {strides = array<i32>} : memref<2048xf32, #tpu.memory_space<vmem>>, vector<16xf32>,
        %get3A_183 = vector.shape_cast %get3A_182 : vector<16xf32> to vector<16xf32>
        %broadcast_in_dim3A_184 = vector.shape_cast %convert_element_type3A : vector<16xi32> to vector<16x1xi32>
        %gather3A_185 = vector.shape_cast %broadcast_in_dim3A_184 : vector<16x1xi32> to vector<16xi32>
        %gather3A_186 = tpu.dynamic_gather %get3A_183[%gather3A_185] in [0] : vector<16xf32>, vector<16xi32> -> vector<16xf32>
        %mul3A_187 = arith.constant 16 : i32
        %mul3A_188 = arith.muli %scan3A_49, %mul3A_187 : i32
        %swap3A_189 = arith.constant 7 : i32
        %swap3A_190 = arith.index_cast %swap3A_189 : i32 to index
        %swap3A_191 = arith.index_cast %mul3A_188 : i32 to index
        %swap3A_192 = tpu.vector_load %arg7[%swap3A_190, %swap3A_191] {strides = array<i32>} : memref<32x2048xf32, #tpu.memory_space<vmem>>, vector<1x16xf32>,
        %swap3A_193 = vector.shape_cast %swap3A_192 : vector<1x16xf32> to vector<16xf32>
        %swap3A_194 = vector.shape_cast %gather3A_186 : vector<16xf32> to vector<1x16xf32>
        tpu.vector_store %arg7[%swap3A_190, %swap3A_191], %swap3A_194 {strides = array<i32>} : memref<32x2048xf32, #tpu.memory_space<vmem>>, vector<1x16xf32>,
        %add3A_195 = arith.constant 8 : i32
        %add3A_196 = arith.addi %mul3A_32, %add3A_195 : i32
        %mul3A_197 = arith.constant 16 : i32
        %mul3A_198 = arith.muli %add3A_196, %mul3A_197 : i32
        %get3A_199 = arith.index_cast %mul3A_198 : i32 to index
        %get3A_200 = tpu.vector_load %arg5[%get3A_199] {strides = array<i32>} : memref<2048xf32, #tpu.memory_space<vmem>>, vector<16xf32>,
        %get3A_201 = vector.shape_cast %get3A_200 : vector<16xf32> to vector<16xf32>
        %broadcast_in_dim3A_202 = vector.shape_cast %convert_element_type3A : vector<16xi32> to vector<16x1xi32>
        %gather3A_203 = vector.shape_cast %broadcast_in_dim3A_202 : vector<16x1xi32> to vector<16xi32>
        %gather3A_204 = tpu.dynamic_gather %get3A_201[%gather3A_203] in [0] : vector<16xf32>, vector<16xi32> -> vector<16xf32>
        %mul3A_205 = arith.constant 16 : i32
        %mul3A_206 = arith.muli %scan3A_49, %mul3A_205 : i32
        %swap3A_207 = arith.constant 8 : i32
        %swap3A_208 = arith.index_cast %swap3A_207 : i32 to index
        %swap3A_209 = arith.index_cast %mul3A_206 : i32 to index
        %swap3A_210 = tpu.vector_load %arg7[%swap3A_208, %swap3A_209] {strides = array<i32>} : memref<32x2048xf32, #tpu.memory_space<vmem>>, vector<1x16xf32>,
        %swap3A_211 = vector.shape_cast %swap3A_210 : vector<1x16xf32> to vector<16xf32>
        %swap3A_212 = vector.shape_cast %gather3A_204 : vector<16xf32> to vector<1x16xf32>
        tpu.vector_store %arg7[%swap3A_208, %swap3A_209], %swap3A_212 {strides = array<i32>} : memref<32x2048xf32, #tpu.memory_space<vmem>>, vector<1x16xf32>,
        %add3A_213 = arith.constant 9 : i32
        %add3A_214 = arith.addi %mul3A_32, %add3A_213 : i32
        %mul3A_215 = arith.constant 16 : i32
        %mul3A_216 = arith.muli %add3A_214, %mul3A_215 : i32
        %get3A_217 = arith.index_cast %mul3A_216 : i32 to index
        %get3A_218 = tpu.vector_load %arg5[%get3A_217] {strides = array<i32>} : memref<2048xf32, #tpu.memory_space<vmem>>, vector<16xf32>,
        %get3A_219 = vector.shape_cast %get3A_218 : vector<16xf32> to vector<16xf32>
        %broadcast_in_dim3A_220 = vector.shape_cast %convert_element_type3A : vector<16xi32> to vector<16x1xi32>
        %gather3A_221 = vector.shape_cast %broadcast_in_dim3A_220 : vector<16x1xi32> to vector<16xi32>
        %gather3A_222 = tpu.dynamic_gather %get3A_219[%gather3A_221] in [0] : vector<16xf32>, vector<16xi32> -> vector<16xf32>
        %mul3A_223 = arith.constant 16 : i32
        %mul3A_224 = arith.muli %scan3A_49, %mul3A_223 : i32
        %swap3A_225 = arith.constant 9 : i32
        %swap3A_226 = arith.index_cast %swap3A_225 : i32 to index
        %swap3A_227 = arith.index_cast %mul3A_224 : i32 to index
        %swap3A_228 = tpu.vector_load %arg7[%swap3A_226, %swap3A_227] {strides = array<i32>} : memref<32x2048xf32, #tpu.memory_space<vmem>>, vector<1x16xf32>,
        %swap3A_229 = vector.shape_cast %swap3A_228 : vector<1x16xf32> to vector<16xf32>
        %swap3A_230 = vector.shape_cast %gather3A_222 : vector<16xf32> to vector<1x16xf32>
        tpu.vector_store %arg7[%swap3A_226, %swap3A_227], %swap3A_230 {strides = array<i32>} : memref<32x2048xf32, #tpu.memory_space<vmem>>, vector<1x16xf32>,
        %add3A_231 = arith.constant 10 : i32
        %add3A_232 = arith.addi %mul3A_32, %add3A_231 : i32
        %mul3A_233 = arith.constant 16 : i32
        %mul3A_234 = arith.muli %add3A_232, %mul3A_233 : i32
        %get3A_235 = arith.index_cast %mul3A_234 : i32 to index
        %get3A_236 = tpu.vector_load %arg5[%get3A_235] {strides = array<i32>} : memref<2048xf32, #tpu.memory_space<vmem>>, vector<16xf32>,
        %get3A_237 = vector.shape_cast %get3A_236 : vector<16xf32> to vector<16xf32>
        %broadcast_in_dim3A_238 = vector.shape_cast %convert_element_type3A : vector<16xi32> to vector<16x1xi32>
        %gather3A_239 = vector.shape_cast %broadcast_in_dim3A_238 : vector<16x1xi32> to vector<16xi32>
        %gather3A_240 = tpu.dynamic_gather %get3A_237[%gather3A_239] in [0] : vector<16xf32>, vector<16xi32> -> vector<16xf32>
        %mul3A_241 = arith.constant 16 : i32
        %mul3A_242 = arith.muli %scan3A_49, %mul3A_241 : i32
        %swap3A_243 = arith.constant 10 : i32
        %swap3A_244 = arith.index_cast %swap3A_243 : i32 to index
        %swap3A_245 = arith.index_cast %mul3A_242 : i32 to index
        %swap3A_246 = tpu.vector_load %arg7[%swap3A_244, %swap3A_245] {strides = array<i32>} : memref<32x2048xf32, #tpu.memory_space<vmem>>, vector<1x16xf32>,
        %swap3A_247 = vector.shape_cast %swap3A_246 : vector<1x16xf32> to vector<16xf32>
        %swap3A_248 = vector.shape_cast %gather3A_240 : vector<16xf32> to vector<1x16xf32>
        tpu.vector_store %arg7[%swap3A_244, %swap3A_245], %swap3A_248 {strides = array<i32>} : memref<32x2048xf32, #tpu.memory_space<vmem>>, vector<1x16xf32>,
        %add3A_249 = arith.constant 11 : i32
        %add3A_250 = arith.addi %mul3A_32, %add3A_249 : i32
        %mul3A_251 = arith.constant 16 : i32
        %mul3A_252 = arith.muli %add3A_250, %mul3A_251 : i32
        %get3A_253 = arith.index_cast %mul3A_252 : i32 to index
        %get3A_254 = tpu.vector_load %arg5[%get3A_253] {strides = array<i32>} : memref<2048xf32, #tpu.memory_space<vmem>>, vector<16xf32>,
        %get3A_255 = vector.shape_cast %get3A_254 : vector<16xf32> to vector<16xf32>
        %broadcast_in_dim3A_256 = vector.shape_cast %convert_element_type3A : vector<16xi32> to vector<16x1xi32>
        %gather3A_257 = vector.shape_cast %broadcast_in_dim3A_256 : vector<16x1xi32> to vector<16xi32>
        %gather3A_258 = tpu.dynamic_gather %get3A_255[%gather3A_257] in [0] : vector<16xf32>, vector<16xi32> -> vector<16xf32>
        %mul3A_259 = arith.constant 16 : i32
        %mul3A_260 = arith.muli %scan3A_49, %mul3A_259 : i32
        %swap3A_261 = arith.constant 11 : i32
        %swap3A_262 = arith.index_cast %swap3A_261 : i32 to index
        %swap3A_263 = arith.index_cast %mul3A_260 : i32 to index
        %swap3A_264 = tpu.vector_load %arg7[%swap3A_262, %swap3A_263] {strides = array<i32>} : memref<32x2048xf32, #tpu.memory_space<vmem>>, vector<1x16xf32>,
        %swap3A_265 = vector.shape_cast %swap3A_264 : vector<1x16xf32> to vector<16xf32>
        %swap3A_266 = vector.shape_cast %gather3A_258 : vector<16xf32> to vector<1x16xf32>
        tpu.vector_store %arg7[%swap3A_262, %swap3A_263], %swap3A_266 {strides = array<i32>} : memref<32x2048xf32, #tpu.memory_space<vmem>>, vector<1x16xf32>,
        %add3A_267 = arith.constant 12 : i32
        %add3A_268 = arith.addi %mul3A_32, %add3A_267 : i32
        %mul3A_269 = arith.constant 16 : i32
        %mul3A_270 = arith.muli %add3A_268, %mul3A_269 : i32
        %get3A_271 = arith.index_cast %mul3A_270 : i32 to index
        %get3A_272 = tpu.vector_load %arg5[%get3A_271] {strides = array<i32>} : memref<2048xf32, #tpu.memory_space<vmem>>, vector<16xf32>,
        %get3A_273 = vector.shape_cast %get3A_272 : vector<16xf32> to vector<16xf32>
        %broadcast_in_dim3A_274 = vector.shape_cast %convert_element_type3A : vector<16xi32> to vector<16x1xi32>
        %gather3A_275 = vector.shape_cast %broadcast_in_dim3A_274 : vector<16x1xi32> to vector<16xi32>
        %gather3A_276 = tpu.dynamic_gather %get3A_273[%gather3A_275] in [0] : vector<16xf32>, vector<16xi32> -> vector<16xf32>
        %mul3A_277 = arith.constant 16 : i32
        %mul3A_278 = arith.muli %scan3A_49, %mul3A_277 : i32
        %swap3A_279 = arith.constant 12 : i32
        %swap3A_280 = arith.index_cast %swap3A_279 : i32 to index
        %swap3A_281 = arith.index_cast %mul3A_278 : i32 to index
        %swap3A_282 = tpu.vector_load %arg7[%swap3A_280, %swap3A_281] {strides = array<i32>} : memref<32x2048xf32, #tpu.memory_space<vmem>>, vector<1x16xf32>,
        %swap3A_283 = vector.shape_cast %swap3A_282 : vector<1x16xf32> to vector<16xf32>
        %swap3A_284 = vector.shape_cast %gather3A_276 : vector<16xf32> to vector<1x16xf32>
        tpu.vector_store %arg7[%swap3A_280, %swap3A_281], %swap3A_284 {strides = array<i32>} : memref<32x2048xf32, #tpu.memory_space<vmem>>, vector<1x16xf32>,
        %add3A_285 = arith.constant 13 : i32
        %add3A_286 = arith.addi %mul3A_32, %add3A_285 : i32
        %mul3A_287 = arith.constant 16 : i32
        %mul3A_288 = arith.muli %add3A_286, %mul3A_287 : i32
        %get3A_289 = arith.index_cast %mul3A_288 : i32 to index
        %get3A_290 = tpu.vector_load %arg5[%get3A_289] {strides = array<i32>} : memref<2048xf32, #tpu.memory_space<vmem>>, vector<16xf32>,
        %get3A_291 = vector.shape_cast %get3A_290 : vector<16xf32> to vector<16xf32>
        %broadcast_in_dim3A_292 = vector.shape_cast %convert_element_type3A : vector<16xi32> to vector<16x1xi32>
        %gather3A_293 = vector.shape_cast %broadcast_in_dim3A_292 : vector<16x1xi32> to vector<16xi32>
        %gather3A_294 = tpu.dynamic_gather %get3A_291[%gather3A_293] in [0] : vector<16xf32>, vector<16xi32> -> vector<16xf32>
        %mul3A_295 = arith.constant 16 : i32
        %mul3A_296 = arith.muli %scan3A_49, %mul3A_295 : i32
        %swap3A_297 = arith.constant 13 : i32
        %swap3A_298 = arith.index_cast %swap3A_297 : i32 to index
        %swap3A_299 = arith.index_cast %mul3A_296 : i32 to index
        %swap3A_300 = tpu.vector_load %arg7[%swap3A_298, %swap3A_299] {strides = array<i32>} : memref<32x2048xf32, #tpu.memory_space<vmem>>, vector<1x16xf32>,
        %swap3A_301 = vector.shape_cast %swap3A_300 : vector<1x16xf32> to vector<16xf32>
        %swap3A_302 = vector.shape_cast %gather3A_294 : vector<16xf32> to vector<1x16xf32>
        tpu.vector_store %arg7[%swap3A_298, %swap3A_299], %swap3A_302 {strides = array<i32>} : memref<32x2048xf32, #tpu.memory_space<vmem>>, vector<1x16xf32>,
        %add3A_303 = arith.constant 14 : i32
        %add3A_304 = arith.addi %mul3A_32, %add3A_303 : i32
        %mul3A_305 = arith.constant 16 : i32
        %mul3A_306 = arith.muli %add3A_304, %mul3A_305 : i32
        %get3A_307 = arith.index_cast %mul3A_306 : i32 to index
        %get3A_308 = tpu.vector_load %arg5[%get3A_307] {strides = array<i32>} : memref<2048xf32, #tpu.memory_space<vmem>>, vector<16xf32>,
        %get3A_309 = vector.shape_cast %get3A_308 : vector<16xf32> to vector<16xf32>
        %broadcast_in_dim3A_310 = vector.shape_cast %convert_element_type3A : vector<16xi32> to vector<16x1xi32>
        %gather3A_311 = vector.shape_cast %broadcast_in_dim3A_310 : vector<16x1xi32> to vector<16xi32>
        %gather3A_312 = tpu.dynamic_gather %get3A_309[%gather3A_311] in [0] : vector<16xf32>, vector<16xi32> -> vector<16xf32>
        %mul3A_313 = arith.constant 16 : i32
        %mul3A_314 = arith.muli %scan3A_49, %mul3A_313 : i32
        %swap3A_315 = arith.constant 14 : i32
        %swap3A_316 = arith.index_cast %swap3A_315 : i32 to index
        %swap3A_317 = arith.index_cast %mul3A_314 : i32 to index
        %swap3A_318 = tpu.vector_load %arg7[%swap3A_316, %swap3A_317] {strides = array<i32>} : memref<32x2048xf32, #tpu.memory_space<vmem>>, vector<1x16xf32>,
        %swap3A_319 = vector.shape_cast %swap3A_318 : vector<1x16xf32> to vector<16xf32>
        %swap3A_320 = vector.shape_cast %gather3A_312 : vector<16xf32> to vector<1x16xf32>
        tpu.vector_store %arg7[%swap3A_316, %swap3A_317], %swap3A_320 {strides = array<i32>} : memref<32x2048xf32, #tpu.memory_space<vmem>>, vector<1x16xf32>,
        %add3A_321 = arith.constant 15 : i32
        %add3A_322 = arith.addi %mul3A_32, %add3A_321 : i32
        %mul3A_323 = arith.constant 16 : i32
        %mul3A_324 = arith.muli %add3A_322, %mul3A_323 : i32
        %get3A_325 = arith.index_cast %mul3A_324 : i32 to index
        %get3A_326 = tpu.vector_load %arg5[%get3A_325] {strides = array<i32>} : memref<2048xf32, #tpu.memory_space<vmem>>, vector<16xf32>,
        %get3A_327 = vector.shape_cast %get3A_326 : vector<16xf32> to vector<16xf32>
        %broadcast_in_dim3A_328 = vector.shape_cast %convert_element_type3A : vector<16xi32> to vector<16x1xi32>
        %gather3A_329 = vector.shape_cast %broadcast_in_dim3A_328 : vector<16x1xi32> to vector<16xi32>
        %gather3A_330 = tpu.dynamic_gather %get3A_327[%gather3A_329] in [0] : vector<16xf32>, vector<16xi32> -> vector<16xf32>
        %mul3A_331 = arith.constant 16 : i32
        %mul3A_332 = arith.muli %scan3A_49, %mul3A_331 : i32
        %swap3A_333 = arith.constant 15 : i32
        %swap3A_334 = arith.index_cast %swap3A_333 : i32 to index
        %swap3A_335 = arith.index_cast %mul3A_332 : i32 to index
        %swap3A_336 = tpu.vector_load %arg7[%swap3A_334, %swap3A_335] {strides = array<i32>} : memref<32x2048xf32, #tpu.memory_space<vmem>>, vector<1x16xf32>,
        %swap3A_337 = vector.shape_cast %swap3A_336 : vector<1x16xf32> to vector<16xf32>
        %swap3A_338 = vector.shape_cast %gather3A_330 : vector<16xf32> to vector<1x16xf32>
        tpu.vector_store %arg7[%swap3A_334, %swap3A_335], %swap3A_338 {strides = array<i32>} : memref<32x2048xf32, #tpu.memory_space<vmem>>, vector<1x16xf32>,
        %add3A_339 = arith.constant 16 : i32
        %add3A_340 = arith.addi %mul3A_32, %add3A_339 : i32
        %mul3A_341 = arith.constant 16 : i32
        %mul3A_342 = arith.muli %add3A_340, %mul3A_341 : i32
        %get3A_343 = arith.index_cast %mul3A_342 : i32 to index
        %get3A_344 = tpu.vector_load %arg5[%get3A_343] {strides = array<i32>} : memref<2048xf32, #tpu.memory_space<vmem>>, vector<16xf32>,
        %get3A_345 = vector.shape_cast %get3A_344 : vector<16xf32> to vector<16xf32>
        %broadcast_in_dim3A_346 = vector.shape_cast %convert_element_type3A : vector<16xi32> to vector<16x1xi32>
        %gather3A_347 = vector.shape_cast %broadcast_in_dim3A_346 : vector<16x1xi32> to vector<16xi32>
        %gather3A_348 = tpu.dynamic_gather %get3A_345[%gather3A_347] in [0] : vector<16xf32>, vector<16xi32> -> vector<16xf32>
        %mul3A_349 = arith.constant 16 : i32
        %mul3A_350 = arith.muli %scan3A_49, %mul3A_349 : i32
        %swap3A_351 = arith.constant 16 : i32
        %swap3A_352 = arith.index_cast %swap3A_351 : i32 to index
        %swap3A_353 = arith.index_cast %mul3A_350 : i32 to index
        %swap3A_354 = tpu.vector_load %arg7[%swap3A_352, %swap3A_353] {strides = array<i32>} : memref<32x2048xf32, #tpu.memory_space<vmem>>, vector<1x16xf32>,
        %swap3A_355 = vector.shape_cast %swap3A_354 : vector<1x16xf32> to vector<16xf32>
        %swap3A_356 = vector.shape_cast %gather3A_348 : vector<16xf32> to vector<1x16xf32>
        tpu.vector_store %arg7[%swap3A_352, %swap3A_353], %swap3A_356 {strides = array<i32>} : memref<32x2048xf32, #tpu.memory_space<vmem>>, vector<1x16xf32>,
        %add3A_357 = arith.constant 17 : i32
        %add3A_358 = arith.addi %mul3A_32, %add3A_357 : i32
        %mul3A_359 = arith.constant 16 : i32
        %mul3A_360 = arith.muli %add3A_358, %mul3A_359 : i32
        %get3A_361 = arith.index_cast %mul3A_360 : i32 to index
        %get3A_362 = tpu.vector_load %arg5[%get3A_361] {strides = array<i32>} : memref<2048xf32, #tpu.memory_space<vmem>>, vector<16xf32>,
        %get3A_363 = vector.shape_cast %get3A_362 : vector<16xf32> to vector<16xf32>
        %broadcast_in_dim3A_364 = vector.shape_cast %convert_element_type3A : vector<16xi32> to vector<16x1xi32>
        %gather3A_365 = vector.shape_cast %broadcast_in_dim3A_364 : vector<16x1xi32> to vector<16xi32>
        %gather3A_366 = tpu.dynamic_gather %get3A_363[%gather3A_365] in [0] : vector<16xf32>, vector<16xi32> -> vector<16xf32>
        %mul3A_367 = arith.constant 16 : i32
        %mul3A_368 = arith.muli %scan3A_49, %mul3A_367 : i32
        %swap3A_369 = arith.constant 17 : i32
        %swap3A_370 = arith.index_cast %swap3A_369 : i32 to index
        %swap3A_371 = arith.index_cast %mul3A_368 : i32 to index
        %swap3A_372 = tpu.vector_load %arg7[%swap3A_370, %swap3A_371] {strides = array<i32>} : memref<32x2048xf32, #tpu.memory_space<vmem>>, vector<1x16xf32>,
        %swap3A_373 = vector.shape_cast %swap3A_372 : vector<1x16xf32> to vector<16xf32>
        %swap3A_374 = vector.shape_cast %gather3A_366 : vector<16xf32> to vector<1x16xf32>
        tpu.vector_store %arg7[%swap3A_370, %swap3A_371], %swap3A_374 {strides = array<i32>} : memref<32x2048xf32, #tpu.memory_space<vmem>>, vector<1x16xf32>,
        %add3A_375 = arith.constant 18 : i32
        %add3A_376 = arith.addi %mul3A_32, %add3A_375 : i32
        %mul3A_377 = arith.constant 16 : i32
        %mul3A_378 = arith.muli %add3A_376, %mul3A_377 : i32
        %get3A_379 = arith.index_cast %mul3A_378 : i32 to index
        %get3A_380 = tpu.vector_load %arg5[%get3A_379] {strides = array<i32>} : memref<2048xf32, #tpu.memory_space<vmem>>, vector<16xf32>,
        %get3A_381 = vector.shape_cast %get3A_380 : vector<16xf32> to vector<16xf32>
        %broadcast_in_dim3A_382 = vector.shape_cast %convert_element_type3A : vector<16xi32> to vector<16x1xi32>
        %gather3A_383 = vector.shape_cast %broadcast_in_dim3A_382 : vector<16x1xi32> to vector<16xi32>
        %gather3A_384 = tpu.dynamic_gather %get3A_381[%gather3A_383] in [0] : vector<16xf32>, vector<16xi32> -> vector<16xf32>
        %mul3A_385 = arith.constant 16 : i32
        %mul3A_386 = arith.muli %scan3A_49, %mul3A_385 : i32
        %swap3A_387 = arith.constant 18 : i32
        %swap3A_388 = arith.index_cast %swap3A_387 : i32 to index
        %swap3A_389 = arith.index_cast %mul3A_386 : i32 to index
        %swap3A_390 = tpu.vector_load %arg7[%swap3A_388, %swap3A_389] {strides = array<i32>} : memref<32x2048xf32, #tpu.memory_space<vmem>>, vector<1x16xf32>,
        %swap3A_391 = vector.shape_cast %swap3A_390 : vector<1x16xf32> to vector<16xf32>
        %swap3A_392 = vector.shape_cast %gather3A_384 : vector<16xf32> to vector<1x16xf32>
        tpu.vector_store %arg7[%swap3A_388, %swap3A_389], %swap3A_392 {strides = array<i32>} : memref<32x2048xf32, #tpu.memory_space<vmem>>, vector<1x16xf32>,
        %add3A_393 = arith.constant 19 : i32
        %add3A_394 = arith.addi %mul3A_32, %add3A_393 : i32
        %mul3A_395 = arith.constant 16 : i32
        %mul3A_396 = arith.muli %add3A_394, %mul3A_395 : i32
        %get3A_397 = arith.index_cast %mul3A_396 : i32 to index
        %get3A_398 = tpu.vector_load %arg5[%get3A_397] {strides = array<i32>} : memref<2048xf32, #tpu.memory_space<vmem>>, vector<16xf32>,
        %get3A_399 = vector.shape_cast %get3A_398 : vector<16xf32> to vector<16xf32>
        %broadcast_in_dim3A_400 = vector.shape_cast %convert_element_type3A : vector<16xi32> to vector<16x1xi32>
        %gather3A_401 = vector.shape_cast %broadcast_in_dim3A_400 : vector<16x1xi32> to vector<16xi32>
        %gather3A_402 = tpu.dynamic_gather %get3A_399[%gather3A_401] in [0] : vector<16xf32>, vector<16xi32> -> vector<16xf32>
        %mul3A_403 = arith.constant 16 : i32
        %mul3A_404 = arith.muli %scan3A_49, %mul3A_403 : i32
        %swap3A_405 = arith.constant 19 : i32
        %swap3A_406 = arith.index_cast %swap3A_405 : i32 to index
        %swap3A_407 = arith.index_cast %mul3A_404 : i32 to index
        %swap3A_408 = tpu.vector_load %arg7[%swap3A_406, %swap3A_407] {strides = array<i32>} : memref<32x2048xf32, #tpu.memory_space<vmem>>, vector<1x16xf32>,
        %swap3A_409 = vector.shape_cast %swap3A_408 : vector<1x16xf32> to vector<16xf32>
        %swap3A_410 = vector.shape_cast %gather3A_402 : vector<16xf32> to vector<1x16xf32>
        tpu.vector_store %arg7[%swap3A_406, %swap3A_407], %swap3A_410 {strides = array<i32>} : memref<32x2048xf32, #tpu.memory_space<vmem>>, vector<1x16xf32>,
        %add3A_411 = arith.constant 20 : i32
        %add3A_412 = arith.addi %mul3A_32, %add3A_411 : i32
        %mul3A_413 = arith.constant 16 : i32
        %mul3A_414 = arith.muli %add3A_412, %mul3A_413 : i32
        %get3A_415 = arith.index_cast %mul3A_414 : i32 to index
        %get3A_416 = tpu.vector_load %arg5[%get3A_415] {strides = array<i32>} : memref<2048xf32, #tpu.memory_space<vmem>>, vector<16xf32>,
        %get3A_417 = vector.shape_cast %get3A_416 : vector<16xf32> to vector<16xf32>
        %broadcast_in_dim3A_418 = vector.shape_cast %convert_element_type3A : vector<16xi32> to vector<16x1xi32>
        %gather3A_419 = vector.shape_cast %broadcast_in_dim3A_418 : vector<16x1xi32> to vector<16xi32>
        %gather3A_420 = tpu.dynamic_gather %get3A_417[%gather3A_419] in [0] : vector<16xf32>, vector<16xi32> -> vector<16xf32>
        %mul3A_421 = arith.constant 16 : i32
        %mul3A_422 = arith.muli %scan3A_49, %mul3A_421 : i32
        %swap3A_423 = arith.constant 20 : i32
        %swap3A_424 = arith.index_cast %swap3A_423 : i32 to index
        %swap3A_425 = arith.index_cast %mul3A_422 : i32 to index
        %swap3A_426 = tpu.vector_load %arg7[%swap3A_424, %swap3A_425] {strides = array<i32>} : memref<32x2048xf32, #tpu.memory_space<vmem>>, vector<1x16xf32>,
        %swap3A_427 = vector.shape_cast %swap3A_426 : vector<1x16xf32> to vector<16xf32>
        %swap3A_428 = vector.shape_cast %gather3A_420 : vector<16xf32> to vector<1x16xf32>
        tpu.vector_store %arg7[%swap3A_424, %swap3A_425], %swap3A_428 {strides = array<i32>} : memref<32x2048xf32, #tpu.memory_space<vmem>>, vector<1x16xf32>,
        %add3A_429 = arith.constant 21 : i32
        %add3A_430 = arith.addi %mul3A_32, %add3A_429 : i32
        %mul3A_431 = arith.constant 16 : i32
        %mul3A_432 = arith.muli %add3A_430, %mul3A_431 : i32
        %get3A_433 = arith.index_cast %mul3A_432 : i32 to index
        %get3A_434 = tpu.vector_load %arg5[%get3A_433] {strides = array<i32>} : memref<2048xf32, #tpu.memory_space<vmem>>, vector<16xf32>,
        %get3A_435 = vector.shape_cast %get3A_434 : vector<16xf32> to vector<16xf32>
        %broadcast_in_dim3A_436 = vector.shape_cast %convert_element_type3A : vector<16xi32> to vector<16x1xi32>
        %gather3A_437 = vector.shape_cast %broadcast_in_dim3A_436 : vector<16x1xi32> to vector<16xi32>
        %gather3A_438 = tpu.dynamic_gather %get3A_435[%gather3A_437] in [0] : vector<16xf32>, vector<16xi32> -> vector<16xf32>
        %mul3A_439 = arith.constant 16 : i32
        %mul3A_440 = arith.muli %scan3A_49, %mul3A_439 : i32
        %swap3A_441 = arith.constant 21 : i32
        %swap3A_442 = arith.index_cast %swap3A_441 : i32 to index
        %swap3A_443 = arith.index_cast %mul3A_440 : i32 to index
        %swap3A_444 = tpu.vector_load %arg7[%swap3A_442, %swap3A_443] {strides = array<i32>} : memref<32x2048xf32, #tpu.memory_space<vmem>>, vector<1x16xf32>,
        %swap3A_445 = vector.shape_cast %swap3A_444 : vector<1x16xf32> to vector<16xf32>
        %swap3A_446 = vector.shape_cast %gather3A_438 : vector<16xf32> to vector<1x16xf32>
        tpu.vector_store %arg7[%swap3A_442, %swap3A_443], %swap3A_446 {strides = array<i32>} : memref<32x2048xf32, #tpu.memory_space<vmem>>, vector<1x16xf32>,
        %add3A_447 = arith.constant 22 : i32
        %add3A_448 = arith.addi %mul3A_32, %add3A_447 : i32
        %mul3A_449 = arith.constant 16 : i32
        %mul3A_450 = arith.muli %add3A_448, %mul3A_449 : i32
        %get3A_451 = arith.index_cast %mul3A_450 : i32 to index
        %get3A_452 = tpu.vector_load %arg5[%get3A_451] {strides = array<i32>} : memref<2048xf32, #tpu.memory_space<vmem>>, vector<16xf32>,
        %get3A_453 = vector.shape_cast %get3A_452 : vector<16xf32> to vector<16xf32>
        %broadcast_in_dim3A_454 = vector.shape_cast %convert_element_type3A : vector<16xi32> to vector<16x1xi32>
        %gather3A_455 = vector.shape_cast %broadcast_in_dim3A_454 : vector<16x1xi32> to vector<16xi32>
        %gather3A_456 = tpu.dynamic_gather %get3A_453[%gather3A_455] in [0] : vector<16xf32>, vector<16xi32> -> vector<16xf32>
        %mul3A_457 = arith.constant 16 : i32
        %mul3A_458 = arith.muli %scan3A_49, %mul3A_457 : i32
        %swap3A_459 = arith.constant 22 : i32
        %swap3A_460 = arith.index_cast %swap3A_459 : i32 to index
        %swap3A_461 = arith.index_cast %mul3A_458 : i32 to index
        %swap3A_462 = tpu.vector_load %arg7[%swap3A_460, %swap3A_461] {strides = array<i32>} : memref<32x2048xf32, #tpu.memory_space<vmem>>, vector<1x16xf32>,
        %swap3A_463 = vector.shape_cast %swap3A_462 : vector<1x16xf32> to vector<16xf32>
        %swap3A_464 = vector.shape_cast %gather3A_456 : vector<16xf32> to vector<1x16xf32>
        tpu.vector_store %arg7[%swap3A_460, %swap3A_461], %swap3A_464 {strides = array<i32>} : memref<32x2048xf32, #tpu.memory_space<vmem>>, vector<1x16xf32>,
        %add3A_465 = arith.constant 23 : i32
        %add3A_466 = arith.addi %mul3A_32, %add3A_465 : i32
        %mul3A_467 = arith.constant 16 : i32
        %mul3A_468 = arith.muli %add3A_466, %mul3A_467 : i32
        %get3A_469 = arith.index_cast %mul3A_468 : i32 to index
        %get3A_470 = tpu.vector_load %arg5[%get3A_469] {strides = array<i32>} : memref<2048xf32, #tpu.memory_space<vmem>>, vector<16xf32>,
        %get3A_471 = vector.shape_cast %get3A_470 : vector<16xf32> to vector<16xf32>
        %broadcast_in_dim3A_472 = vector.shape_cast %convert_element_type3A : vector<16xi32> to vector<16x1xi32>
        %gather3A_473 = vector.shape_cast %broadcast_in_dim3A_472 : vector<16x1xi32> to vector<16xi32>
        %gather3A_474 = tpu.dynamic_gather %get3A_471[%gather3A_473] in [0] : vector<16xf32>, vector<16xi32> -> vector<16xf32>
        %mul3A_475 = arith.constant 16 : i32
        %mul3A_476 = arith.muli %scan3A_49, %mul3A_475 : i32
        %swap3A_477 = arith.constant 23 : i32
        %swap3A_478 = arith.index_cast %swap3A_477 : i32 to index
        %swap3A_479 = arith.index_cast %mul3A_476 : i32 to index
        %swap3A_480 = tpu.vector_load %arg7[%swap3A_478, %swap3A_479] {strides = array<i32>} : memref<32x2048xf32, #tpu.memory_space<vmem>>, vector<1x16xf32>,
        %swap3A_481 = vector.shape_cast %swap3A_480 : vector<1x16xf32> to vector<16xf32>
        %swap3A_482 = vector.shape_cast %gather3A_474 : vector<16xf32> to vector<1x16xf32>
        tpu.vector_store %arg7[%swap3A_478, %swap3A_479], %swap3A_482 {strides = array<i32>} : memref<32x2048xf32, #tpu.memory_space<vmem>>, vector<1x16xf32>,
        %add3A_483 = arith.constant 24 : i32
        %add3A_484 = arith.addi %mul3A_32, %add3A_483 : i32
        %mul3A_485 = arith.constant 16 : i32
        %mul3A_486 = arith.muli %add3A_484, %mul3A_485 : i32
        %get3A_487 = arith.index_cast %mul3A_486 : i32 to index
        %get3A_488 = tpu.vector_load %arg5[%get3A_487] {strides = array<i32>} : memref<2048xf32, #tpu.memory_space<vmem>>, vector<16xf32>,
        %get3A_489 = vector.shape_cast %get3A_488 : vector<16xf32> to vector<16xf32>
        %broadcast_in_dim3A_490 = vector.shape_cast %convert_element_type3A : vector<16xi32> to vector<16x1xi32>
        %gather3A_491 = vector.shape_cast %broadcast_in_dim3A_490 : vector<16x1xi32> to vector<16xi32>
        %gather3A_492 = tpu.dynamic_gather %get3A_489[%gather3A_491] in [0] : vector<16xf32>, vector<16xi32> -> vector<16xf32>
        %mul3A_493 = arith.constant 16 : i32
        %mul3A_494 = arith.muli %scan3A_49, %mul3A_493 : i32
        %swap3A_495 = arith.constant 24 : i32
        %swap3A_496 = arith.index_cast %swap3A_495 : i32 to index
        %swap3A_497 = arith.index_cast %mul3A_494 : i32 to index
        %swap3A_498 = tpu.vector_load %arg7[%swap3A_496, %swap3A_497] {strides = array<i32>} : memref<32x2048xf32, #tpu.memory_space<vmem>>, vector<1x16xf32>,
        %swap3A_499 = vector.shape_cast %swap3A_498 : vector<1x16xf32> to vector<16xf32>
        %swap3A_500 = vector.shape_cast %gather3A_492 : vector<16xf32> to vector<1x16xf32>
        tpu.vector_store %arg7[%swap3A_496, %swap3A_497], %swap3A_500 {strides = array<i32>} : memref<32x2048xf32, #tpu.memory_space<vmem>>, vector<1x16xf32>,
        %add3A_501 = arith.constant 25 : i32
        %add3A_502 = arith.addi %mul3A_32, %add3A_501 : i32
        %mul3A_503 = arith.constant 16 : i32
        %mul3A_504 = arith.muli %add3A_502, %mul3A_503 : i32
        %get3A_505 = arith.index_cast %mul3A_504 : i32 to index
        %get3A_506 = tpu.vector_load %arg5[%get3A_505] {strides = array<i32>} : memref<2048xf32, #tpu.memory_space<vmem>>, vector<16xf32>,
        %get3A_507 = vector.shape_cast %get3A_506 : vector<16xf32> to vector<16xf32>
        %broadcast_in_dim3A_508 = vector.shape_cast %convert_element_type3A : vector<16xi32> to vector<16x1xi32>
        %gather3A_509 = vector.shape_cast %broadcast_in_dim3A_508 : vector<16x1xi32> to vector<16xi32>
        %gather3A_510 = tpu.dynamic_gather %get3A_507[%gather3A_509] in [0] : vector<16xf32>, vector<16xi32> -> vector<16xf32>
        %mul3A_511 = arith.constant 16 : i32
        %mul3A_512 = arith.muli %scan3A_49, %mul3A_511 : i32
        %swap3A_513 = arith.constant 25 : i32
        %swap3A_514 = arith.index_cast %swap3A_513 : i32 to index
        %swap3A_515 = arith.index_cast %mul3A_512 : i32 to index
        %swap3A_516 = tpu.vector_load %arg7[%swap3A_514, %swap3A_515] {strides = array<i32>} : memref<32x2048xf32, #tpu.memory_space<vmem>>, vector<1x16xf32>,
        %swap3A_517 = vector.shape_cast %swap3A_516 : vector<1x16xf32> to vector<16xf32>
        %swap3A_518 = vector.shape_cast %gather3A_510 : vector<16xf32> to vector<1x16xf32>
        tpu.vector_store %arg7[%swap3A_514, %swap3A_515], %swap3A_518 {strides = array<i32>} : memref<32x2048xf32, #tpu.memory_space<vmem>>, vector<1x16xf32>,
        %add3A_519 = arith.constant 26 : i32
        %add3A_520 = arith.addi %mul3A_32, %add3A_519 : i32
        %mul3A_521 = arith.constant 16 : i32
        %mul3A_522 = arith.muli %add3A_520, %mul3A_521 : i32
        %get3A_523 = arith.index_cast %mul3A_522 : i32 to index
        %get3A_524 = tpu.vector_load %arg5[%get3A_523] {strides = array<i32>} : memref<2048xf32, #tpu.memory_space<vmem>>, vector<16xf32>,
        %get3A_525 = vector.shape_cast %get3A_524 : vector<16xf32> to vector<16xf32>
        %broadcast_in_dim3A_526 = vector.shape_cast %convert_element_type3A : vector<16xi32> to vector<16x1xi32>
        %gather3A_527 = vector.shape_cast %broadcast_in_dim3A_526 : vector<16x1xi32> to vector<16xi32>
        %gather3A_528 = tpu.dynamic_gather %get3A_525[%gather3A_527] in [0] : vector<16xf32>, vector<16xi32> -> vector<16xf32>
        %mul3A_529 = arith.constant 16 : i32
        %mul3A_530 = arith.muli %scan3A_49, %mul3A_529 : i32
        %swap3A_531 = arith.constant 26 : i32
        %swap3A_532 = arith.index_cast %swap3A_531 : i32 to index
        %swap3A_533 = arith.index_cast %mul3A_530 : i32 to index
        %swap3A_534 = tpu.vector_load %arg7[%swap3A_532, %swap3A_533] {strides = array<i32>} : memref<32x2048xf32, #tpu.memory_space<vmem>>, vector<1x16xf32>,
        %swap3A_535 = vector.shape_cast %swap3A_534 : vector<1x16xf32> to vector<16xf32>
        %swap3A_536 = vector.shape_cast %gather3A_528 : vector<16xf32> to vector<1x16xf32>
        tpu.vector_store %arg7[%swap3A_532, %swap3A_533], %swap3A_536 {strides = array<i32>} : memref<32x2048xf32, #tpu.memory_space<vmem>>, vector<1x16xf32>,
        %add3A_537 = arith.constant 27 : i32
        %add3A_538 = arith.addi %mul3A_32, %add3A_537 : i32
        %mul3A_539 = arith.constant 16 : i32
        %mul3A_540 = arith.muli %add3A_538, %mul3A_539 : i32
        %get3A_541 = arith.index_cast %mul3A_540 : i32 to index
        %get3A_542 = tpu.vector_load %arg5[%get3A_541] {strides = array<i32>} : memref<2048xf32, #tpu.memory_space<vmem>>, vector<16xf32>,
        %get3A_543 = vector.shape_cast %get3A_542 : vector<16xf32> to vector<16xf32>
        %broadcast_in_dim3A_544 = vector.shape_cast %convert_element_type3A : vector<16xi32> to vector<16x1xi32>
        %gather3A_545 = vector.shape_cast %broadcast_in_dim3A_544 : vector<16x1xi32> to vector<16xi32>
        %gather3A_546 = tpu.dynamic_gather %get3A_543[%gather3A_545] in [0] : vector<16xf32>, vector<16xi32> -> vector<16xf32>
        %mul3A_547 = arith.constant 16 : i32
        %mul3A_548 = arith.muli %scan3A_49, %mul3A_547 : i32
        %swap3A_549 = arith.constant 27 : i32
        %swap3A_550 = arith.index_cast %swap3A_549 : i32 to index
        %swap3A_551 = arith.index_cast %mul3A_548 : i32 to index
        %swap3A_552 = tpu.vector_load %arg7[%swap3A_550, %swap3A_551] {strides = array<i32>} : memref<32x2048xf32, #tpu.memory_space<vmem>>, vector<1x16xf32>,
        %swap3A_553 = vector.shape_cast %swap3A_552 : vector<1x16xf32> to vector<16xf32>
        %swap3A_554 = vector.shape_cast %gather3A_546 : vector<16xf32> to vector<1x16xf32>
        tpu.vector_store %arg7[%swap3A_550, %swap3A_551], %swap3A_554 {strides = array<i32>} : memref<32x2048xf32, #tpu.memory_space<vmem>>, vector<1x16xf32>,
        %add3A_555 = arith.constant 28 : i32
        %add3A_556 = arith.addi %mul3A_32, %add3A_555 : i32
        %mul3A_557 = arith.constant 16 : i32
        %mul3A_558 = arith.muli %add3A_556, %mul3A_557 : i32
        %get3A_559 = arith.index_cast %mul3A_558 : i32 to index
        %get3A_560 = tpu.vector_load %arg5[%get3A_559] {strides = array<i32>} : memref<2048xf32, #tpu.memory_space<vmem>>, vector<16xf32>,
        %get3A_561 = vector.shape_cast %get3A_560 : vector<16xf32> to vector<16xf32>
        %broadcast_in_dim3A_562 = vector.shape_cast %convert_element_type3A : vector<16xi32> to vector<16x1xi32>
        %gather3A_563 = vector.shape_cast %broadcast_in_dim3A_562 : vector<16x1xi32> to vector<16xi32>
        %gather3A_564 = tpu.dynamic_gather %get3A_561[%gather3A_563] in [0] : vector<16xf32>, vector<16xi32> -> vector<16xf32>
        %mul3A_565 = arith.constant 16 : i32
        %mul3A_566 = arith.muli %scan3A_49, %mul3A_565 : i32
        %swap3A_567 = arith.constant 28 : i32
        %swap3A_568 = arith.index_cast %swap3A_567 : i32 to index
        %swap3A_569 = arith.index_cast %mul3A_566 : i32 to index
        %swap3A_570 = tpu.vector_load %arg7[%swap3A_568, %swap3A_569] {strides = array<i32>} : memref<32x2048xf32, #tpu.memory_space<vmem>>, vector<1x16xf32>,
        %swap3A_571 = vector.shape_cast %swap3A_570 : vector<1x16xf32> to vector<16xf32>
        %swap3A_572 = vector.shape_cast %gather3A_564 : vector<16xf32> to vector<1x16xf32>
        tpu.vector_store %arg7[%swap3A_568, %swap3A_569], %swap3A_572 {strides = array<i32>} : memref<32x2048xf32, #tpu.memory_space<vmem>>, vector<1x16xf32>,
        %add3A_573 = arith.constant 29 : i32
        %add3A_574 = arith.addi %mul3A_32, %add3A_573 : i32
        %mul3A_575 = arith.constant 16 : i32
        %mul3A_576 = arith.muli %add3A_574, %mul3A_575 : i32
        %get3A_577 = arith.index_cast %mul3A_576 : i32 to index
        %get3A_578 = tpu.vector_load %arg5[%get3A_577] {strides = array<i32>} : memref<2048xf32, #tpu.memory_space<vmem>>, vector<16xf32>,
        %get3A_579 = vector.shape_cast %get3A_578 : vector<16xf32> to vector<16xf32>
        %broadcast_in_dim3A_580 = vector.shape_cast %convert_element_type3A : vector<16xi32> to vector<16x1xi32>
        %gather3A_581 = vector.shape_cast %broadcast_in_dim3A_580 : vector<16x1xi32> to vector<16xi32>
        %gather3A_582 = tpu.dynamic_gather %get3A_579[%gather3A_581] in [0] : vector<16xf32>, vector<16xi32> -> vector<16xf32>
        %mul3A_583 = arith.constant 16 : i32
        %mul3A_584 = arith.muli %scan3A_49, %mul3A_583 : i32
        %swap3A_585 = arith.constant 29 : i32
        %swap3A_586 = arith.index_cast %swap3A_585 : i32 to index
        %swap3A_587 = arith.index_cast %mul3A_584 : i32 to index
        %swap3A_588 = tpu.vector_load %arg7[%swap3A_586, %swap3A_587] {strides = array<i32>} : memref<32x2048xf32, #tpu.memory_space<vmem>>, vector<1x16xf32>,
        %swap3A_589 = vector.shape_cast %swap3A_588 : vector<1x16xf32> to vector<16xf32>
        %swap3A_590 = vector.shape_cast %gather3A_582 : vector<16xf32> to vector<1x16xf32>
        tpu.vector_store %arg7[%swap3A_586, %swap3A_587], %swap3A_590 {strides = array<i32>} : memref<32x2048xf32, #tpu.memory_space<vmem>>, vector<1x16xf32>,
        %add3A_591 = arith.constant 30 : i32
        %add3A_592 = arith.addi %mul3A_32, %add3A_591 : i32
        %mul3A_593 = arith.constant 16 : i32
        %mul3A_594 = arith.muli %add3A_592, %mul3A_593 : i32
        %get3A_595 = arith.index_cast %mul3A_594 : i32 to index
        %get3A_596 = tpu.vector_load %arg5[%get3A_595] {strides = array<i32>} : memref<2048xf32, #tpu.memory_space<vmem>>, vector<16xf32>,
        %get3A_597 = vector.shape_cast %get3A_596 : vector<16xf32> to vector<16xf32>
        %broadcast_in_dim3A_598 = vector.shape_cast %convert_element_type3A : vector<16xi32> to vector<16x1xi32>
        %gather3A_599 = vector.shape_cast %broadcast_in_dim3A_598 : vector<16x1xi32> to vector<16xi32>
        %gather3A_600 = tpu.dynamic_gather %get3A_597[%gather3A_599] in [0] : vector<16xf32>, vector<16xi32> -> vector<16xf32>
        %mul3A_601 = arith.constant 16 : i32
        %mul3A_602 = arith.muli %scan3A_49, %mul3A_601 : i32
        %swap3A_603 = arith.constant 30 : i32
        %swap3A_604 = arith.index_cast %swap3A_603 : i32 to index
        %swap3A_605 = arith.index_cast %mul3A_602 : i32 to index
        %swap3A_606 = tpu.vector_load %arg7[%swap3A_604, %swap3A_605] {strides = array<i32>} : memref<32x2048xf32, #tpu.memory_space<vmem>>, vector<1x16xf32>,
        %swap3A_607 = vector.shape_cast %swap3A_606 : vector<1x16xf32> to vector<16xf32>
        %swap3A_608 = vector.shape_cast %gather3A_600 : vector<16xf32> to vector<1x16xf32>
        tpu.vector_store %arg7[%swap3A_604, %swap3A_605], %swap3A_608 {strides = array<i32>} : memref<32x2048xf32, #tpu.memory_space<vmem>>, vector<1x16xf32>,
        %add3A_609 = arith.constant 31 : i32
        %add3A_610 = arith.addi %mul3A_32, %add3A_609 : i32
        %mul3A_611 = arith.constant 16 : i32
        %mul3A_612 = arith.muli %add3A_610, %mul3A_611 : i32
        %get3A_613 = arith.index_cast %mul3A_612 : i32 to index
        %get3A_614 = tpu.vector_load %arg5[%get3A_613] {strides = array<i32>} : memref<2048xf32, #tpu.memory_space<vmem>>, vector<16xf32>,
        %get3A_615 = vector.shape_cast %get3A_614 : vector<16xf32> to vector<16xf32>
        %broadcast_in_dim3A_616 = vector.shape_cast %convert_element_type3A : vector<16xi32> to vector<16x1xi32>
        %gather3A_617 = vector.shape_cast %broadcast_in_dim3A_616 : vector<16x1xi32> to vector<16xi32>
        %gather3A_618 = tpu.dynamic_gather %get3A_615[%gather3A_617] in [0] : vector<16xf32>, vector<16xi32> -> vector<16xf32>
        %mul3A_619 = arith.constant 16 : i32
        %mul3A_620 = arith.muli %scan3A_49, %mul3A_619 : i32
        %swap3A_621 = arith.constant 31 : i32
        %swap3A_622 = arith.index_cast %swap3A_621 : i32 to index
        %swap3A_623 = arith.index_cast %mul3A_620 : i32 to index
        %swap3A_624 = tpu.vector_load %arg7[%swap3A_622, %swap3A_623] {strides = array<i32>} : memref<32x2048xf32, #tpu.memory_space<vmem>>, vector<1x16xf32>,
        %swap3A_625 = vector.shape_cast %swap3A_624 : vector<1x16xf32> to vector<16xf32>
        %swap3A_626 = vector.shape_cast %gather3A_618 : vector<16xf32> to vector<1x16xf32>
        tpu.vector_store %arg7[%swap3A_622, %swap3A_623], %swap3A_626 {strides = array<i32>} : memref<32x2048xf32, #tpu.memory_space<vmem>>, vector<1x16xf32>,
      }
      %scan3A_46 = arith.constant 128 : i32
      %mul3A_47 = arith.constant 2048 : i32
      %mul3A_48 = arith.muli %scan3A_38, %mul3A_47 : i32
      "tpu.region"() ({
        %run_scoped3A = tpu.sem_alloc : memref<!tpu.dma_semaphore, #tpu.memory_space<semaphore_mem>>
        %dma_start3A = tpu.memref_slice %arg4[%select_n3A, %mul3A_32, %mul3A_48] : memref<8x128x16384xf32, #tpu.memory_space<hbm>> -> memref<1x32x2048xf32, #tpu.memory_space<hbm>>
        %dma_start3A_49 = tpu.memref_squeeze %dma_start3A : memref<1x32x2048xf32, #tpu.memory_space<hbm>> -> memref<32x2048xf32, #tpu.memory_space<hbm>>
        %dma_start3A_50 = tpu.memref_slice %arg4[%select_n3A, %mul3A_32, %mul3A_48] : memref<8x128x16384xf32, #tpu.memory_space<hbm>> -> memref<1x32x2048xf32, #tpu.memory_space<hbm>>
        %dma_start3A_51 = tpu.memref_squeeze %dma_start3A_50 : memref<1x32x2048xf32, #tpu.memory_space<hbm>> -> memref<32x2048xf32, #tpu.memory_space<hbm>>
        tpu.enqueue_dma source(%arg7 : memref<32x2048xf32, #tpu.memory_space<vmem>>) target(%dma_start3A_51 : memref<32x2048xf32, #tpu.memory_space<hbm>>) target_semaphore(%run_scoped3A : memref<!tpu.dma_semaphore, #tpu.memory_space<semaphore_mem>>)
        %dma_wait3A = tpu.memref_slice %arg4[%select_n3A, %mul3A_32, %mul3A_48] : memref<8x128x16384xf32, #tpu.memory_space<hbm>> -> memref<1x32x2048xf32, #tpu.memory_space<hbm>>
        %dma_wait3A_52 = tpu.memref_squeeze %dma_wait3A : memref<1x32x2048xf32, #tpu.memory_space<hbm>> -> memref<32x2048xf32, #tpu.memory_space<hbm>>
        %dma_wait3A_53 = tpu.memref_slice %arg4[%select_n3A, %mul3A_32, %mul3A_48] : memref<8x128x16384xf32, #tpu.memory_space<hbm>> -> memref<1x32x2048xf32, #tpu.memory_space<hbm>>
        %dma_wait3A_54 = tpu.memref_squeeze %dma_wait3A_53 : memref<1x32x2048xf32, #tpu.memory_space<hbm>> -> memref<32x2048xf32, #tpu.memory_space<hbm>>
        tpu.wait_dma2 semaphore(%run_scoped3A : memref<!tpu.dma_semaphore, #tpu.memory_space<semaphore_mem>>) src(%arg7 : memref<32x2048xf32, #tpu.memory_space<vmem>>) dst(%dma_wait3A_54 : memref<32x2048xf32, #tpu.memory_space<hbm>>)
        tpu.yield
      }) : () -> ()
    }
    %scan3A_37 = arith.constant 8 : i32
    return
  }
}

module attributes {stable_mosaic.version = 14 : i64} {
  func.func @_p1_kernel(%arg0: i32, %arg1: i32, %arg2: memref<1x64x1024xf32, #tpu.memory_space<vmem>>, %arg3: memref<1x1x1024xf32, #tpu.memory_space<vmem>>, %arg4: memref<2048x80xf32, #tpu.memory_space<vmem>>, %arg5: memref<1x16x128xf32, #tpu.memory_space<vmem>>, %arg6: memref<80x1024xf32, #tpu.memory_space<vmem>>, %arg7: memref<1x16xf32, #tpu.memory_space<vmem>>) attributes {dimension_semantics = [#tpu.dimension_semantics<arbitrary>, #tpu.dimension_semantics<arbitrary>], iteration_bounds = array<i64: 8, 16>, scalar_prefetch = 0 : i64, scratch_operands = 0 : i64, tpu.core_type = #tpu.core_type<tc>, window_params = [{transform_indices = @transform_0, window_bounds = array<i64: 1, 64, 1024>}, {transform_indices = @transform_1, window_bounds = array<i64: 1, 1, 1024>}, {pipeline_mode = #tpu.pipeline_mode<synchronous>, transform_indices = @transform_2, window_bounds = array<i64: 2048, 80>}, {transform_indices = @transform_3, window_bounds = array<i64: 1, 16, 128>}, {pipeline_mode = #tpu.pipeline_mode<synchronous>, transform_indices = @transform_4, window_bounds = array<i64: 80, 1024>}, {pipeline_mode = #tpu.pipeline_mode<synchronous>, transform_indices = @transform_5, window_bounds = array<i64: 1, 16>}]} {
    %eq3A = arith.constant 0 : i32
    %eq3A_0 = arith.cmpi eq, %arg0, %eq3A : i32
    %eq3A_1 = arith.constant 0 : i32
    %eq3A_2 = arith.cmpi eq, %arg1, %eq3A_1 : i32
    %and3A = arith.andi %eq3A_0, %eq3A_2 : i1
    %convert_element_type3A = arith.extui %and3A : i1 to i32
    %cond3A = arith.constant 0 : i32
    %cond3A_3 = arith.cmpi ne, %convert_element_type3A, %cond3A : i32
    scf.if %cond3A_3 {
      %broadcast_in_dim3A_60 = arith.constant 0.000000e+00 : f32
      %broadcast_in_dim3A_61 = vector.broadcast %broadcast_in_dim3A_60 : f32 to vector<80x1024xf32>
      %swap3A_62 = arith.constant 0 : index
      %swap3A_63 = arith.constant 0 : index
      %swap3A_64 = vector.load %arg6[%swap3A_62, %swap3A_63] : memref<80x1024xf32, #tpu.memory_space<vmem>>, vector<80x1024xf32>
      tpu.vector_store %arg6[%swap3A_62, %swap3A_63], %broadcast_in_dim3A_61 {strides = array<i32>} : memref<80x1024xf32, #tpu.memory_space<vmem>>, vector<80x1024xf32>,
      %broadcast_in_dim3A_65 = arith.constant 0.000000e+00 : f32
      %broadcast_in_dim3A_66 = vector.broadcast %broadcast_in_dim3A_65 : f32 to vector<1x16xf32>
      %swap3A_67 = arith.constant 0 : index
      %swap3A_68 = arith.constant 0 : index
      %swap3A_69 = vector.load %arg7[%swap3A_67, %swap3A_68] : memref<1x16xf32, #tpu.memory_space<vmem>>, vector<1x16xf32>
      tpu.vector_store %arg7[%swap3A_67, %swap3A_68], %broadcast_in_dim3A_66 {strides = array<i32>} : memref<1x16xf32, #tpu.memory_space<vmem>>, vector<1x16xf32>,
    } else {
    }
    %eq3A_4 = arith.constant 0 : i32
    %eq3A_5 = arith.cmpi eq, %arg1, %eq3A_4 : i32
    %convert_element_type3A_6 = arith.extui %eq3A_5 : i1 to i32
    %cond3A_7 = arith.constant 0 : i32
    %cond3A_8 = arith.cmpi ne, %convert_element_type3A_6, %cond3A_7 : i32
    scf.if %cond3A_8 {
      %broadcast_in_dim3A_60 = arith.constant 0xFF800000 : f32
      %broadcast_in_dim3A_61 = vector.broadcast %broadcast_in_dim3A_60 : f32 to vector<1x16x128xf32>
      %swap3A_62 = arith.constant 0 : index
      %swap3A_63 = arith.constant 0 : index
      %swap3A_64 = arith.constant 0 : index
      %swap3A_65 = vector.load %arg5[%swap3A_62, %swap3A_63, %swap3A_64] : memref<1x16x128xf32, #tpu.memory_space<vmem>>, vector<1x16x128xf32>
      tpu.vector_store %arg5[%swap3A_62, %swap3A_63, %swap3A_64], %broadcast_in_dim3A_61 {strides = array<i32>} : memref<1x16x128xf32, #tpu.memory_space<vmem>>, vector<1x16x128xf32>,
    } else {
    }
    %get3A = arith.constant 0 : index
    %get3A_9 = arith.constant 0 : index
    %get3A_10 = arith.constant 0 : index
    %get3A_11 = vector.load %arg2[%get3A, %get3A_9, %get3A_10] : memref<1x64x1024xf32, #tpu.memory_space<vmem>>, vector<1x64x1024xf32>
    %get3A_12 = vector.shape_cast %get3A_11 : vector<1x64x1024xf32> to vector<64x1024xf32>
    %get3A_13 = arith.constant 0 : index
    %get3A_14 = arith.constant 0 : index
    %get3A_15 = arith.constant 0 : index
    %get3A_16 = vector.load %arg3[%get3A_13, %get3A_14, %get3A_15] : memref<1x1x1024xf32, #tpu.memory_space<vmem>>, vector<1x1x1024xf32>
    %get3A_17 = vector.shape_cast %get3A_16 : vector<1x1x1024xf32> to vector<1x1024xf32>
    %convert_element_type3A_18 = arith.fptosi %get3A_17 : vector<1x1024xf32> to vector<1x1024xi32>
    %iota3A = tpu.iota {dimensions = array<i32: 0>} : vector<16x1xi32>
    %eq3A_19 = vector.broadcast %convert_element_type3A_18 : vector<1x1024xi32> to vector<16x1024xi32>
    %eq3A_20 = vector.broadcast %iota3A : vector<16x1xi32> to vector<16x1024xi32>
    %eq3A_21 = arith.cmpi eq, %eq3A_19, %eq3A_20 : vector<16x1024xi32>
    %convert_element_type3A_22 = arith.extui %eq3A_21 : vector<16x1024xi1> to vector<16x1024xi32>
    %convert_element_type3A_23 = arith.sitofp %convert_element_type3A_22 : vector<16x1024xi32> to vector<16x1024xf32>
    %concatenate3A = tpu.concatenate %get3A_12, %convert_element_type3A_23 in 0 : vector<64x1024xf32>, vector<16x1024xf32> -> vector<80x1024xf32>
    %get3A_24 = arith.constant 0 : index
    %get3A_25 = arith.constant 0 : index
    %get3A_26 = vector.load %arg4[%get3A_24, %get3A_25] : memref<2048x80xf32, #tpu.memory_space<vmem>>, vector<2048x80xf32>
    %dot_general3A = arith.constant dense<0.000000e+00> : vector<2048x1024xf32>
    %dot_general3A_27 = tpu.matmul %get3A_26, %concatenate3A, %dot_general3A {dimension_numbers = #tpu.dot_dimension_numbers<[1], [0], [0], [1], [0, 0, 1, 1], [], []>, transpose_lhs_hint = false} : vector<2048x80xf32>, vector<80x1024xf32>, vector<2048x1024xf32> -> vector<2048x1024xf32>
    %reshape3A = vector.shape_cast %dot_general3A_27 : vector<2048x1024xf32> to vector<16x128x1024xf32>
    %reduce_max3A = arith.constant dense<0xFF800000> : vector<16x128xf32>
    %reduce_max3A_28 = vector.multi_reduction <maximumf>, %reshape3A, %reduce_max3A [2] : vector<16x128x1024xf32> to vector<16x128xf32>
    %get3A_29 = arith.constant 0 : index
    %get3A_30 = arith.constant 0 : index
    %get3A_31 = arith.constant 0 : index
    %get3A_32 = vector.load %arg5[%get3A_29, %get3A_30, %get3A_31] : memref<1x16x128xf32, #tpu.memory_space<vmem>>, vector<1x16x128xf32>
    %get3A_33 = vector.shape_cast %get3A_32 : vector<1x16x128xf32> to vector<16x128xf32>
    %max3A = arith.maximumf %get3A_33, %reduce_max3A_28 : vector<16x128xf32>
    %swap3A = arith.constant 0 : index
    %swap3A_34 = arith.constant 0 : index
    %swap3A_35 = arith.constant 0 : index
    %swap3A_36 = vector.load %arg5[%swap3A, %swap3A_34, %swap3A_35] : memref<1x16x128xf32, #tpu.memory_space<vmem>>, vector<1x16x128xf32>
    %swap3A_37 = vector.shape_cast %swap3A_36 : vector<1x16x128xf32> to vector<16x128xf32>
    %swap3A_38 = vector.shape_cast %max3A : vector<16x128xf32> to vector<1x16x128xf32>
    tpu.vector_store %arg5[%swap3A, %swap3A_34, %swap3A_35], %swap3A_38 {strides = array<i32>} : memref<1x16x128xf32, #tpu.memory_space<vmem>>, vector<1x16x128xf32>,
    %broadcast_in_dim3A = vector.shape_cast %convert_element_type3A_23 : vector<16x1024xf32> to vector<16x1x1024xf32>
    %broadcast_in_dim3A_39 = vector.shape_cast %get3A_12 : vector<64x1024xf32> to vector<1x64x1024xf32>
    %mul3A = vector.broadcast %broadcast_in_dim3A : vector<16x1x1024xf32> to vector<16x64x1024xf32>
    %mul3A_40 = vector.broadcast %broadcast_in_dim3A_39 : vector<1x64x1024xf32> to vector<16x64x1024xf32>
    %mul3A_41 = arith.mulf %mul3A, %mul3A_40 : vector<16x64x1024xf32>
    %reshape3A_42 = vector.shape_cast %mul3A_41 : vector<16x64x1024xf32> to vector<1024x1024xf32>
    %get3A_43 = arith.constant 0 : index
    %get3A_44 = arith.constant 0 : index
    %get3A_45 = vector.load %arg6[%get3A_43, %get3A_44] : memref<80x1024xf32, #tpu.memory_space<vmem>>, vector<80x1024xf32>
    %dot_general3A_46 = arith.constant dense<0.000000e+00> : vector<80x1024xf32>
    %dot_general3A_47 = tpu.matmul %concatenate3A, %reshape3A_42, %dot_general3A_46 {dimension_numbers = #tpu.dot_dimension_numbers<[1], [1], [0], [0], [0, 0, 1, 0], [], []>, transpose_lhs_hint = false} : vector<80x1024xf32>, vector<1024x1024xf32>, vector<80x1024xf32> -> vector<80x1024xf32>
    %add3A = arith.addf %get3A_45, %dot_general3A_47 : vector<80x1024xf32>
    %swap3A_48 = arith.constant 0 : index
    %swap3A_49 = arith.constant 0 : index
    %swap3A_50 = vector.load %arg6[%swap3A_48, %swap3A_49] : memref<80x1024xf32, #tpu.memory_space<vmem>>, vector<80x1024xf32>
    tpu.vector_store %arg6[%swap3A_48, %swap3A_49], %add3A {strides = array<i32>} : memref<80x1024xf32, #tpu.memory_space<vmem>>, vector<80x1024xf32>,
    %get3A_51 = arith.constant 0 : index
    %get3A_52 = arith.constant 0 : index
    %get3A_53 = vector.load %arg7[%get3A_51, %get3A_52] : memref<1x16xf32, #tpu.memory_space<vmem>>, vector<1x16xf32>
    %reduce_sum3A = arith.constant dense<0.000000e+00> : vector<16xf32>
    %reduce_sum3A_54 = vector.multi_reduction <add>, %convert_element_type3A_23, %reduce_sum3A [1] : vector<16x1024xf32> to vector<16xf32>
    %reshape3A_55 = vector.shape_cast %reduce_sum3A_54 : vector<16xf32> to vector<1x16xf32>
    %add3A_56 = arith.addf %get3A_53, %reshape3A_55 : vector<1x16xf32>
    %swap3A_57 = arith.constant 0 : index
    %swap3A_58 = arith.constant 0 : index
    %swap3A_59 = vector.load %arg7[%swap3A_57, %swap3A_58] : memref<1x16xf32, #tpu.memory_space<vmem>>, vector<1x16xf32>
    tpu.vector_store %arg7[%swap3A_57, %swap3A_58], %add3A_56 {strides = array<i32>} : memref<1x16xf32, #tpu.memory_space<vmem>>, vector<1x16xf32>,
    return
  }
  func.func @transform_0(%arg0: i32, %arg1: i32) -> (i32, i32, i32) {
    %c0_i32 = arith.constant 0 : i32
    %c0_i32_0 = arith.constant 0 : i32
    return %arg0, %c0_i32, %arg1 : i32, i32, i32
  }
  func.func @transform_1(%arg0: i32, %arg1: i32) -> (i32, i32, i32) {
    %c0_i32 = arith.constant 0 : i32
    %c0_i32_0 = arith.constant 0 : i32
    return %arg0, %c0_i32, %arg1 : i32, i32, i32
  }
  func.func @transform_2(%arg0: i32, %arg1: i32) -> (i32, i32) {
    %c0_i32 = arith.constant 0 : i32
    %c0_i32_0 = arith.constant 0 : i32
    %c0_i32_1 = arith.constant 0 : i32
    return %c0_i32, %c0_i32_0 : i32, i32
  }
  func.func @transform_3(%arg0: i32, %arg1: i32) -> (i32, i32, i32) {
    %c0_i32 = arith.constant 0 : i32
    %c0_i32_0 = arith.constant 0 : i32
    %c0_i32_1 = arith.constant 0 : i32
    return %arg0, %c0_i32, %c0_i32_0 : i32, i32, i32
  }
  func.func @transform_4(%arg0: i32, %arg1: i32) -> (i32, i32) {
    %c0_i32 = arith.constant 0 : i32
    %c0_i32_0 = arith.constant 0 : i32
    %c0_i32_1 = arith.constant 0 : i32
    return %c0_i32, %c0_i32_0 : i32, i32
  }
  func.func @transform_5(%arg0: i32, %arg1: i32) -> (i32, i32) {
    %c0_i32 = arith.constant 0 : i32
    %c0_i32_0 = arith.constant 0 : i32
    %c0_i32_1 = arith.constant 0 : i32
    return %c0_i32, %c0_i32_0 : i32, i32
  }
}

module attributes {stable_mosaic.version = 14 : i64} {
  func.func @_p2_kernel(%arg0: memref<8x16x128xf32, #tpu.memory_space<vmem>>, %arg1: memref<80x1024xf32, #tpu.memory_space<vmem>>, %arg2: memref<1x16xf32, #tpu.memory_space<vmem>>, %arg3: memref<2048x64xf32, #tpu.memory_space<vmem>>, %arg4: memref<16x128xf32, #tpu.memory_space<vmem>>, %arg5: memref<16x128xf32, #tpu.memory_space<vmem>>, %arg6: memref<16x128xf32, #tpu.memory_space<vmem>>, %arg7: memref<8x16x128xf32, #tpu.memory_space<vmem>>) attributes {dimension_semantics = [], scalar_prefetch = 0 : i64, scratch_operands = 0 : i64, tpu.core_type = #tpu.core_type<tc>} {
    %get3A = arith.constant 0 : index
    %get3A_0 = arith.constant 0 : index
    %get3A_1 = vector.load %arg2[%get3A, %get3A_0] : memref<1x16xf32, #tpu.memory_space<vmem>>, vector<1x16xf32>
    %reshape3A = vector.shape_cast %get3A_1 : vector<1x16xf32> to vector<16x1xf32>
    %max3A = arith.constant 1.000000e+00 : f32
    %max3A_2 = vector.broadcast %max3A : f32 to vector<16x1xf32>
    %max3A_3 = arith.maximumf %reshape3A, %max3A_2 : vector<16x1xf32>
    %get3A_4 = arith.constant 0 : index
    %get3A_5 = arith.constant 0 : index
    %get3A_6 = vector.load %arg3[%get3A_4, %get3A_5] : memref<2048x64xf32, #tpu.memory_space<vmem>>, vector<128x64xf32>
    %get3A_7 = arith.constant 0 : index
    %get3A_8 = arith.constant 0 : index
    %get3A_9 = vector.load %arg1[%get3A_7, %get3A_8] : memref<80x1024xf32, #tpu.memory_space<vmem>>, vector<64x64xf32>
    %get3A_10 = arith.constant 64 : index
    %get3A_11 = arith.constant 0 : index
    %get3A_12 = vector.load %arg1[%get3A_10, %get3A_11] : memref<80x1024xf32, #tpu.memory_space<vmem>>, vector<1x64xf32>
    %dot_general3A = arith.constant dense<0.000000e+00> : vector<128x1xf32>
    %dot_general3A_13 = tpu.matmul %get3A_6, %get3A_12, %dot_general3A {dimension_numbers = #tpu.dot_dimension_numbers<[1], [1], [0], [0], [0, 0, 1, 0], [], []>, transpose_lhs_hint = false} : vector<128x64xf32>, vector<1x64xf32>, vector<128x1xf32> -> vector<128x1xf32>
    %dot_general3A_14 = arith.constant dense<0.000000e+00> : vector<128x64xf32>
    %dot_general3A_15 = tpu.matmul %get3A_6, %get3A_9, %dot_general3A_14 {dimension_numbers = #tpu.dot_dimension_numbers<[1], [0], [0], [1], [0, 0, 1, 1], [], []>, transpose_lhs_hint = false} : vector<128x64xf32>, vector<64x64xf32>, vector<128x64xf32> -> vector<128x64xf32>
    %mul3A = arith.mulf %dot_general3A_15, %get3A_6 : vector<128x64xf32>
    %reduce_sum3A = arith.constant dense<0.000000e+00> : vector<128xf32>
    %reduce_sum3A_16 = vector.multi_reduction <add>, %mul3A, %reduce_sum3A [1] : vector<128x64xf32> to vector<128xf32>
    %broadcast_in_dim3A = vector.shape_cast %reduce_sum3A_16 : vector<128xf32> to vector<128x1xf32>
    %get3A_17 = arith.constant 128 : index
    %get3A_18 = arith.constant 0 : index
    %get3A_19 = vector.load %arg3[%get3A_17, %get3A_18] : memref<2048x64xf32, #tpu.memory_space<vmem>>, vector<128x64xf32>
    %get3A_20 = arith.constant 0 : index
    %get3A_21 = arith.constant 64 : index
    %get3A_22 = vector.load %arg1[%get3A_20, %get3A_21] : memref<80x1024xf32, #tpu.memory_space<vmem>>, vector<64x64xf32>
    %get3A_23 = arith.constant 65 : index
    %get3A_24 = arith.constant 64 : index
    %get3A_25 = vector.load %arg1[%get3A_23, %get3A_24] : memref<80x1024xf32, #tpu.memory_space<vmem>>, vector<1x64xf32>
    %dot_general3A_26 = arith.constant dense<0.000000e+00> : vector<128x1xf32>
    %dot_general3A_27 = tpu.matmul %get3A_19, %get3A_25, %dot_general3A_26 {dimension_numbers = #tpu.dot_dimension_numbers<[1], [1], [0], [0], [0, 0, 1, 0], [], []>, transpose_lhs_hint = false} : vector<128x64xf32>, vector<1x64xf32>, vector<128x1xf32> -> vector<128x1xf32>
    %dot_general3A_28 = arith.constant dense<0.000000e+00> : vector<128x64xf32>
    %dot_general3A_29 = tpu.matmul %get3A_19, %get3A_22, %dot_general3A_28 {dimension_numbers = #tpu.dot_dimension_numbers<[1], [0], [0], [1], [0, 0, 1, 1], [], []>, transpose_lhs_hint = false} : vector<128x64xf32>, vector<64x64xf32>, vector<128x64xf32> -> vector<128x64xf32>
    %mul3A_30 = arith.mulf %dot_general3A_29, %get3A_19 : vector<128x64xf32>
    %reduce_sum3A_31 = arith.constant dense<0.000000e+00> : vector<128xf32>
    %reduce_sum3A_32 = vector.multi_reduction <add>, %mul3A_30, %reduce_sum3A_31 [1] : vector<128x64xf32> to vector<128xf32>
    %broadcast_in_dim3A_33 = vector.shape_cast %reduce_sum3A_32 : vector<128xf32> to vector<128x1xf32>
    %get3A_34 = arith.constant 256 : index
    %get3A_35 = arith.constant 0 : index
    %get3A_36 = vector.load %arg3[%get3A_34, %get3A_35] : memref<2048x64xf32, #tpu.memory_space<vmem>>, vector<128x64xf32>
    %get3A_37 = arith.constant 0 : index
    %get3A_38 = arith.constant 128 : index
    %get3A_39 = vector.load %arg1[%get3A_37, %get3A_38] : memref<80x1024xf32, #tpu.memory_space<vmem>>, vector<64x64xf32>
    %get3A_40 = arith.constant 66 : index
    %get3A_41 = arith.constant 128 : index
    %get3A_42 = vector.load %arg1[%get3A_40, %get3A_41] : memref<80x1024xf32, #tpu.memory_space<vmem>>, vector<1x64xf32>
    %dot_general3A_43 = arith.constant dense<0.000000e+00> : vector<128x1xf32>
    %dot_general3A_44 = tpu.matmul %get3A_36, %get3A_42, %dot_general3A_43 {dimension_numbers = #tpu.dot_dimension_numbers<[1], [1], [0], [0], [0, 0, 1, 0], [], []>, transpose_lhs_hint = false} : vector<128x64xf32>, vector<1x64xf32>, vector<128x1xf32> -> vector<128x1xf32>
    %dot_general3A_45 = arith.constant dense<0.000000e+00> : vector<128x64xf32>
    %dot_general3A_46 = tpu.matmul %get3A_36, %get3A_39, %dot_general3A_45 {dimension_numbers = #tpu.dot_dimension_numbers<[1], [0], [0], [1], [0, 0, 1, 1], [], []>, transpose_lhs_hint = false} : vector<128x64xf32>, vector<64x64xf32>, vector<128x64xf32> -> vector<128x64xf32>
    %mul3A_47 = arith.mulf %dot_general3A_46, %get3A_36 : vector<128x64xf32>
    %reduce_sum3A_48 = arith.constant dense<0.000000e+00> : vector<128xf32>
    %reduce_sum3A_49 = vector.multi_reduction <add>, %mul3A_47, %reduce_sum3A_48 [1] : vector<128x64xf32> to vector<128xf32>
    %broadcast_in_dim3A_50 = vector.shape_cast %reduce_sum3A_49 : vector<128xf32> to vector<128x1xf32>
    %get3A_51 = arith.constant 384 : index
    %get3A_52 = arith.constant 0 : index
    %get3A_53 = vector.load %arg3[%get3A_51, %get3A_52] : memref<2048x64xf32, #tpu.memory_space<vmem>>, vector<128x64xf32>
    %get3A_54 = arith.constant 0 : index
    %get3A_55 = arith.constant 192 : index
    %get3A_56 = vector.load %arg1[%get3A_54, %get3A_55] : memref<80x1024xf32, #tpu.memory_space<vmem>>, vector<64x64xf32>
    %get3A_57 = arith.constant 67 : index
    %get3A_58 = arith.constant 192 : index
    %get3A_59 = vector.load %arg1[%get3A_57, %get3A_58] : memref<80x1024xf32, #tpu.memory_space<vmem>>, vector<1x64xf32>
    %dot_general3A_60 = arith.constant dense<0.000000e+00> : vector<128x1xf32>
    %dot_general3A_61 = tpu.matmul %get3A_53, %get3A_59, %dot_general3A_60 {dimension_numbers = #tpu.dot_dimension_numbers<[1], [1], [0], [0], [0, 0, 1, 0], [], []>, transpose_lhs_hint = false} : vector<128x64xf32>, vector<1x64xf32>, vector<128x1xf32> -> vector<128x1xf32>
    %dot_general3A_62 = arith.constant dense<0.000000e+00> : vector<128x64xf32>
    %dot_general3A_63 = tpu.matmul %get3A_53, %get3A_56, %dot_general3A_62 {dimension_numbers = #tpu.dot_dimension_numbers<[1], [0], [0], [1], [0, 0, 1, 1], [], []>, transpose_lhs_hint = false} : vector<128x64xf32>, vector<64x64xf32>, vector<128x64xf32> -> vector<128x64xf32>
    %mul3A_64 = arith.mulf %dot_general3A_63, %get3A_53 : vector<128x64xf32>
    %reduce_sum3A_65 = arith.constant dense<0.000000e+00> : vector<128xf32>
    %reduce_sum3A_66 = vector.multi_reduction <add>, %mul3A_64, %reduce_sum3A_65 [1] : vector<128x64xf32> to vector<128xf32>
    %broadcast_in_dim3A_67 = vector.shape_cast %reduce_sum3A_66 : vector<128xf32> to vector<128x1xf32>
    %get3A_68 = arith.constant 512 : index
    %get3A_69 = arith.constant 0 : index
    %get3A_70 = vector.load %arg3[%get3A_68, %get3A_69] : memref<2048x64xf32, #tpu.memory_space<vmem>>, vector<128x64xf32>
    %get3A_71 = arith.constant 0 : index
    %get3A_72 = arith.constant 256 : index
    %get3A_73 = vector.load %arg1[%get3A_71, %get3A_72] : memref<80x1024xf32, #tpu.memory_space<vmem>>, vector<64x64xf32>
    %get3A_74 = arith.constant 68 : index
    %get3A_75 = arith.constant 256 : index
    %get3A_76 = vector.load %arg1[%get3A_74, %get3A_75] : memref<80x1024xf32, #tpu.memory_space<vmem>>, vector<1x64xf32>
    %dot_general3A_77 = arith.constant dense<0.000000e+00> : vector<128x1xf32>
    %dot_general3A_78 = tpu.matmul %get3A_70, %get3A_76, %dot_general3A_77 {dimension_numbers = #tpu.dot_dimension_numbers<[1], [1], [0], [0], [0, 0, 1, 0], [], []>, transpose_lhs_hint = false} : vector<128x64xf32>, vector<1x64xf32>, vector<128x1xf32> -> vector<128x1xf32>
    %dot_general3A_79 = arith.constant dense<0.000000e+00> : vector<128x64xf32>
    %dot_general3A_80 = tpu.matmul %get3A_70, %get3A_73, %dot_general3A_79 {dimension_numbers = #tpu.dot_dimension_numbers<[1], [0], [0], [1], [0, 0, 1, 1], [], []>, transpose_lhs_hint = false} : vector<128x64xf32>, vector<64x64xf32>, vector<128x64xf32> -> vector<128x64xf32>
    %mul3A_81 = arith.mulf %dot_general3A_80, %get3A_70 : vector<128x64xf32>
    %reduce_sum3A_82 = arith.constant dense<0.000000e+00> : vector<128xf32>
    %reduce_sum3A_83 = vector.multi_reduction <add>, %mul3A_81, %reduce_sum3A_82 [1] : vector<128x64xf32> to vector<128xf32>
    %broadcast_in_dim3A_84 = vector.shape_cast %reduce_sum3A_83 : vector<128xf32> to vector<128x1xf32>
    %get3A_85 = arith.constant 640 : index
    %get3A_86 = arith.constant 0 : index
    %get3A_87 = vector.load %arg3[%get3A_85, %get3A_86] : memref<2048x64xf32, #tpu.memory_space<vmem>>, vector<128x64xf32>
    %get3A_88 = arith.constant 0 : index
    %get3A_89 = arith.constant 320 : index
    %get3A_90 = vector.load %arg1[%get3A_88, %get3A_89] : memref<80x1024xf32, #tpu.memory_space<vmem>>, vector<64x64xf32>
    %get3A_91 = arith.constant 69 : index
    %get3A_92 = arith.constant 320 : index
    %get3A_93 = vector.load %arg1[%get3A_91, %get3A_92] : memref<80x1024xf32, #tpu.memory_space<vmem>>, vector<1x64xf32>
    %dot_general3A_94 = arith.constant dense<0.000000e+00> : vector<128x1xf32>
    %dot_general3A_95 = tpu.matmul %get3A_87, %get3A_93, %dot_general3A_94 {dimension_numbers = #tpu.dot_dimension_numbers<[1], [1], [0], [0], [0, 0, 1, 0], [], []>, transpose_lhs_hint = false} : vector<128x64xf32>, vector<1x64xf32>, vector<128x1xf32> -> vector<128x1xf32>
    %dot_general3A_96 = arith.constant dense<0.000000e+00> : vector<128x64xf32>
    %dot_general3A_97 = tpu.matmul %get3A_87, %get3A_90, %dot_general3A_96 {dimension_numbers = #tpu.dot_dimension_numbers<[1], [0], [0], [1], [0, 0, 1, 1], [], []>, transpose_lhs_hint = false} : vector<128x64xf32>, vector<64x64xf32>, vector<128x64xf32> -> vector<128x64xf32>
    %mul3A_98 = arith.mulf %dot_general3A_97, %get3A_87 : vector<128x64xf32>
    %reduce_sum3A_99 = arith.constant dense<0.000000e+00> : vector<128xf32>
    %reduce_sum3A_100 = vector.multi_reduction <add>, %mul3A_98, %reduce_sum3A_99 [1] : vector<128x64xf32> to vector<128xf32>
    %broadcast_in_dim3A_101 = vector.shape_cast %reduce_sum3A_100 : vector<128xf32> to vector<128x1xf32>
    %get3A_102 = arith.constant 768 : index
    %get3A_103 = arith.constant 0 : index
    %get3A_104 = vector.load %arg3[%get3A_102, %get3A_103] : memref<2048x64xf32, #tpu.memory_space<vmem>>, vector<128x64xf32>
    %get3A_105 = arith.constant 0 : index
    %get3A_106 = arith.constant 384 : index
    %get3A_107 = vector.load %arg1[%get3A_105, %get3A_106] : memref<80x1024xf32, #tpu.memory_space<vmem>>, vector<64x64xf32>
    %get3A_108 = arith.constant 70 : index
    %get3A_109 = arith.constant 384 : index
    %get3A_110 = vector.load %arg1[%get3A_108, %get3A_109] : memref<80x1024xf32, #tpu.memory_space<vmem>>, vector<1x64xf32>
    %dot_general3A_111 = arith.constant dense<0.000000e+00> : vector<128x1xf32>
    %dot_general3A_112 = tpu.matmul %get3A_104, %get3A_110, %dot_general3A_111 {dimension_numbers = #tpu.dot_dimension_numbers<[1], [1], [0], [0], [0, 0, 1, 0], [], []>, transpose_lhs_hint = false} : vector<128x64xf32>, vector<1x64xf32>, vector<128x1xf32> -> vector<128x1xf32>
    %dot_general3A_113 = arith.constant dense<0.000000e+00> : vector<128x64xf32>
    %dot_general3A_114 = tpu.matmul %get3A_104, %get3A_107, %dot_general3A_113 {dimension_numbers = #tpu.dot_dimension_numbers<[1], [0], [0], [1], [0, 0, 1, 1], [], []>, transpose_lhs_hint = false} : vector<128x64xf32>, vector<64x64xf32>, vector<128x64xf32> -> vector<128x64xf32>
    %mul3A_115 = arith.mulf %dot_general3A_114, %get3A_104 : vector<128x64xf32>
    %reduce_sum3A_116 = arith.constant dense<0.000000e+00> : vector<128xf32>
    %reduce_sum3A_117 = vector.multi_reduction <add>, %mul3A_115, %reduce_sum3A_116 [1] : vector<128x64xf32> to vector<128xf32>
    %broadcast_in_dim3A_118 = vector.shape_cast %reduce_sum3A_117 : vector<128xf32> to vector<128x1xf32>
    %get3A_119 = arith.constant 896 : index
    %get3A_120 = arith.constant 0 : index
    %get3A_121 = vector.load %arg3[%get3A_119, %get3A_120] : memref<2048x64xf32, #tpu.memory_space<vmem>>, vector<128x64xf32>
    %get3A_122 = arith.constant 0 : index
    %get3A_123 = arith.constant 448 : index
    %get3A_124 = vector.load %arg1[%get3A_122, %get3A_123] : memref<80x1024xf32, #tpu.memory_space<vmem>>, vector<64x64xf32>
    %get3A_125 = arith.constant 71 : index
    %get3A_126 = arith.constant 448 : index
    %get3A_127 = vector.load %arg1[%get3A_125, %get3A_126] : memref<80x1024xf32, #tpu.memory_space<vmem>>, vector<1x64xf32>
    %dot_general3A_128 = arith.constant dense<0.000000e+00> : vector<128x1xf32>
    %dot_general3A_129 = tpu.matmul %get3A_121, %get3A_127, %dot_general3A_128 {dimension_numbers = #tpu.dot_dimension_numbers<[1], [1], [0], [0], [0, 0, 1, 0], [], []>, transpose_lhs_hint = false} : vector<128x64xf32>, vector<1x64xf32>, vector<128x1xf32> -> vector<128x1xf32>
    %dot_general3A_130 = arith.constant dense<0.000000e+00> : vector<128x64xf32>
    %dot_general3A_131 = tpu.matmul %get3A_121, %get3A_124, %dot_general3A_130 {dimension_numbers = #tpu.dot_dimension_numbers<[1], [0], [0], [1], [0, 0, 1, 1], [], []>, transpose_lhs_hint = false} : vector<128x64xf32>, vector<64x64xf32>, vector<128x64xf32> -> vector<128x64xf32>
    %mul3A_132 = arith.mulf %dot_general3A_131, %get3A_121 : vector<128x64xf32>
    %reduce_sum3A_133 = arith.constant dense<0.000000e+00> : vector<128xf32>
    %reduce_sum3A_134 = vector.multi_reduction <add>, %mul3A_132, %reduce_sum3A_133 [1] : vector<128x64xf32> to vector<128xf32>
    %broadcast_in_dim3A_135 = vector.shape_cast %reduce_sum3A_134 : vector<128xf32> to vector<128x1xf32>
    %get3A_136 = arith.constant 1024 : index
    %get3A_137 = arith.constant 0 : index
    %get3A_138 = vector.load %arg3[%get3A_136, %get3A_137] : memref<2048x64xf32, #tpu.memory_space<vmem>>, vector<128x64xf32>
    %get3A_139 = arith.constant 0 : index
    %get3A_140 = arith.constant 512 : index
    %get3A_141 = vector.load %arg1[%get3A_139, %get3A_140] : memref<80x1024xf32, #tpu.memory_space<vmem>>, vector<64x64xf32>
    %get3A_142 = arith.constant 72 : index
    %get3A_143 = arith.constant 512 : index
    %get3A_144 = vector.load %arg1[%get3A_142, %get3A_143] : memref<80x1024xf32, #tpu.memory_space<vmem>>, vector<1x64xf32>
    %dot_general3A_145 = arith.constant dense<0.000000e+00> : vector<128x1xf32>
    %dot_general3A_146 = tpu.matmul %get3A_138, %get3A_144, %dot_general3A_145 {dimension_numbers = #tpu.dot_dimension_numbers<[1], [1], [0], [0], [0, 0, 1, 0], [], []>, transpose_lhs_hint = false} : vector<128x64xf32>, vector<1x64xf32>, vector<128x1xf32> -> vector<128x1xf32>
    %dot_general3A_147 = arith.constant dense<0.000000e+00> : vector<128x64xf32>
    %dot_general3A_148 = tpu.matmul %get3A_138, %get3A_141, %dot_general3A_147 {dimension_numbers = #tpu.dot_dimension_numbers<[1], [0], [0], [1], [0, 0, 1, 1], [], []>, transpose_lhs_hint = false} : vector<128x64xf32>, vector<64x64xf32>, vector<128x64xf32> -> vector<128x64xf32>
    %mul3A_149 = arith.mulf %dot_general3A_148, %get3A_138 : vector<128x64xf32>
    %reduce_sum3A_150 = arith.constant dense<0.000000e+00> : vector<128xf32>
    %reduce_sum3A_151 = vector.multi_reduction <add>, %mul3A_149, %reduce_sum3A_150 [1] : vector<128x64xf32> to vector<128xf32>
    %broadcast_in_dim3A_152 = vector.shape_cast %reduce_sum3A_151 : vector<128xf32> to vector<128x1xf32>
    %get3A_153 = arith.constant 1152 : index
    %get3A_154 = arith.constant 0 : index
    %get3A_155 = vector.load %arg3[%get3A_153, %get3A_154] : memref<2048x64xf32, #tpu.memory_space<vmem>>, vector<128x64xf32>
    %get3A_156 = arith.constant 0 : index
    %get3A_157 = arith.constant 576 : index
    %get3A_158 = vector.load %arg1[%get3A_156, %get3A_157] : memref<80x1024xf32, #tpu.memory_space<vmem>>, vector<64x64xf32>
    %get3A_159 = arith.constant 73 : index
    %get3A_160 = arith.constant 576 : index
    %get3A_161 = vector.load %arg1[%get3A_159, %get3A_160] : memref<80x1024xf32, #tpu.memory_space<vmem>>, vector<1x64xf32>
    %dot_general3A_162 = arith.constant dense<0.000000e+00> : vector<128x1xf32>
    %dot_general3A_163 = tpu.matmul %get3A_155, %get3A_161, %dot_general3A_162 {dimension_numbers = #tpu.dot_dimension_numbers<[1], [1], [0], [0], [0, 0, 1, 0], [], []>, transpose_lhs_hint = false} : vector<128x64xf32>, vector<1x64xf32>, vector<128x1xf32> -> vector<128x1xf32>
    %dot_general3A_164 = arith.constant dense<0.000000e+00> : vector<128x64xf32>
    %dot_general3A_165 = tpu.matmul %get3A_155, %get3A_158, %dot_general3A_164 {dimension_numbers = #tpu.dot_dimension_numbers<[1], [0], [0], [1], [0, 0, 1, 1], [], []>, transpose_lhs_hint = false} : vector<128x64xf32>, vector<64x64xf32>, vector<128x64xf32> -> vector<128x64xf32>
    %mul3A_166 = arith.mulf %dot_general3A_165, %get3A_155 : vector<128x64xf32>
    %reduce_sum3A_167 = arith.constant dense<0.000000e+00> : vector<128xf32>
    %reduce_sum3A_168 = vector.multi_reduction <add>, %mul3A_166, %reduce_sum3A_167 [1] : vector<128x64xf32> to vector<128xf32>
    %broadcast_in_dim3A_169 = vector.shape_cast %reduce_sum3A_168 : vector<128xf32> to vector<128x1xf32>
    %get3A_170 = arith.constant 1280 : index
    %get3A_171 = arith.constant 0 : index
    %get3A_172 = vector.load %arg3[%get3A_170, %get3A_171] : memref<2048x64xf32, #tpu.memory_space<vmem>>, vector<128x64xf32>
    %get3A_173 = arith.constant 0 : index
    %get3A_174 = arith.constant 640 : index
    %get3A_175 = vector.load %arg1[%get3A_173, %get3A_174] : memref<80x1024xf32, #tpu.memory_space<vmem>>, vector<64x64xf32>
    %get3A_176 = arith.constant 74 : index
    %get3A_177 = arith.constant 640 : index
    %get3A_178 = vector.load %arg1[%get3A_176, %get3A_177] : memref<80x1024xf32, #tpu.memory_space<vmem>>, vector<1x64xf32>
    %dot_general3A_179 = arith.constant dense<0.000000e+00> : vector<128x1xf32>
    %dot_general3A_180 = tpu.matmul %get3A_172, %get3A_178, %dot_general3A_179 {dimension_numbers = #tpu.dot_dimension_numbers<[1], [1], [0], [0], [0, 0, 1, 0], [], []>, transpose_lhs_hint = false} : vector<128x64xf32>, vector<1x64xf32>, vector<128x1xf32> -> vector<128x1xf32>
    %dot_general3A_181 = arith.constant dense<0.000000e+00> : vector<128x64xf32>
    %dot_general3A_182 = tpu.matmul %get3A_172, %get3A_175, %dot_general3A_181 {dimension_numbers = #tpu.dot_dimension_numbers<[1], [0], [0], [1], [0, 0, 1, 1], [], []>, transpose_lhs_hint = false} : vector<128x64xf32>, vector<64x64xf32>, vector<128x64xf32> -> vector<128x64xf32>
    %mul3A_183 = arith.mulf %dot_general3A_182, %get3A_172 : vector<128x64xf32>
    %reduce_sum3A_184 = arith.constant dense<0.000000e+00> : vector<128xf32>
    %reduce_sum3A_185 = vector.multi_reduction <add>, %mul3A_183, %reduce_sum3A_184 [1] : vector<128x64xf32> to vector<128xf32>
    %broadcast_in_dim3A_186 = vector.shape_cast %reduce_sum3A_185 : vector<128xf32> to vector<128x1xf32>
    %get3A_187 = arith.constant 1408 : index
    %get3A_188 = arith.constant 0 : index
    %get3A_189 = vector.load %arg3[%get3A_187, %get3A_188] : memref<2048x64xf32, #tpu.memory_space<vmem>>, vector<128x64xf32>
    %get3A_190 = arith.constant 0 : index
    %get3A_191 = arith.constant 704 : index
    %get3A_192 = vector.load %arg1[%get3A_190, %get3A_191] : memref<80x1024xf32, #tpu.memory_space<vmem>>, vector<64x64xf32>
    %get3A_193 = arith.constant 75 : index
    %get3A_194 = arith.constant 704 : index
    %get3A_195 = vector.load %arg1[%get3A_193, %get3A_194] : memref<80x1024xf32, #tpu.memory_space<vmem>>, vector<1x64xf32>
    %dot_general3A_196 = arith.constant dense<0.000000e+00> : vector<128x1xf32>
    %dot_general3A_197 = tpu.matmul %get3A_189, %get3A_195, %dot_general3A_196 {dimension_numbers = #tpu.dot_dimension_numbers<[1], [1], [0], [0], [0, 0, 1, 0], [], []>, transpose_lhs_hint = false} : vector<128x64xf32>, vector<1x64xf32>, vector<128x1xf32> -> vector<128x1xf32>
    %dot_general3A_198 = arith.constant dense<0.000000e+00> : vector<128x64xf32>
    %dot_general3A_199 = tpu.matmul %get3A_189, %get3A_192, %dot_general3A_198 {dimension_numbers = #tpu.dot_dimension_numbers<[1], [0], [0], [1], [0, 0, 1, 1], [], []>, transpose_lhs_hint = false} : vector<128x64xf32>, vector<64x64xf32>, vector<128x64xf32> -> vector<128x64xf32>
    %mul3A_200 = arith.mulf %dot_general3A_199, %get3A_189 : vector<128x64xf32>
    %reduce_sum3A_201 = arith.constant dense<0.000000e+00> : vector<128xf32>
    %reduce_sum3A_202 = vector.multi_reduction <add>, %mul3A_200, %reduce_sum3A_201 [1] : vector<128x64xf32> to vector<128xf32>
    %broadcast_in_dim3A_203 = vector.shape_cast %reduce_sum3A_202 : vector<128xf32> to vector<128x1xf32>
    %get3A_204 = arith.constant 1536 : index
    %get3A_205 = arith.constant 0 : index
    %get3A_206 = vector.load %arg3[%get3A_204, %get3A_205] : memref<2048x64xf32, #tpu.memory_space<vmem>>, vector<128x64xf32>
    %get3A_207 = arith.constant 0 : index
    %get3A_208 = arith.constant 768 : index
    %get3A_209 = vector.load %arg1[%get3A_207, %get3A_208] : memref<80x1024xf32, #tpu.memory_space<vmem>>, vector<64x64xf32>
    %get3A_210 = arith.constant 76 : index
    %get3A_211 = arith.constant 768 : index
    %get3A_212 = vector.load %arg1[%get3A_210, %get3A_211] : memref<80x1024xf32, #tpu.memory_space<vmem>>, vector<1x64xf32>
    %dot_general3A_213 = arith.constant dense<0.000000e+00> : vector<128x1xf32>
    %dot_general3A_214 = tpu.matmul %get3A_206, %get3A_212, %dot_general3A_213 {dimension_numbers = #tpu.dot_dimension_numbers<[1], [1], [0], [0], [0, 0, 1, 0], [], []>, transpose_lhs_hint = false} : vector<128x64xf32>, vector<1x64xf32>, vector<128x1xf32> -> vector<128x1xf32>
    %dot_general3A_215 = arith.constant dense<0.000000e+00> : vector<128x64xf32>
    %dot_general3A_216 = tpu.matmul %get3A_206, %get3A_209, %dot_general3A_215 {dimension_numbers = #tpu.dot_dimension_numbers<[1], [0], [0], [1], [0, 0, 1, 1], [], []>, transpose_lhs_hint = false} : vector<128x64xf32>, vector<64x64xf32>, vector<128x64xf32> -> vector<128x64xf32>
    %mul3A_217 = arith.mulf %dot_general3A_216, %get3A_206 : vector<128x64xf32>
    %reduce_sum3A_218 = arith.constant dense<0.000000e+00> : vector<128xf32>
    %reduce_sum3A_219 = vector.multi_reduction <add>, %mul3A_217, %reduce_sum3A_218 [1] : vector<128x64xf32> to vector<128xf32>
    %broadcast_in_dim3A_220 = vector.shape_cast %reduce_sum3A_219 : vector<128xf32> to vector<128x1xf32>
    %get3A_221 = arith.constant 1664 : index
    %get3A_222 = arith.constant 0 : index
    %get3A_223 = vector.load %arg3[%get3A_221, %get3A_222] : memref<2048x64xf32, #tpu.memory_space<vmem>>, vector<128x64xf32>
    %get3A_224 = arith.constant 0 : index
    %get3A_225 = arith.constant 832 : index
    %get3A_226 = vector.load %arg1[%get3A_224, %get3A_225] : memref<80x1024xf32, #tpu.memory_space<vmem>>, vector<64x64xf32>
    %get3A_227 = arith.constant 77 : index
    %get3A_228 = arith.constant 832 : index
    %get3A_229 = vector.load %arg1[%get3A_227, %get3A_228] : memref<80x1024xf32, #tpu.memory_space<vmem>>, vector<1x64xf32>
    %dot_general3A_230 = arith.constant dense<0.000000e+00> : vector<128x1xf32>
    %dot_general3A_231 = tpu.matmul %get3A_223, %get3A_229, %dot_general3A_230 {dimension_numbers = #tpu.dot_dimension_numbers<[1], [1], [0], [0], [0, 0, 1, 0], [], []>, transpose_lhs_hint = false} : vector<128x64xf32>, vector<1x64xf32>, vector<128x1xf32> -> vector<128x1xf32>
    %dot_general3A_232 = arith.constant dense<0.000000e+00> : vector<128x64xf32>
    %dot_general3A_233 = tpu.matmul %get3A_223, %get3A_226, %dot_general3A_232 {dimension_numbers = #tpu.dot_dimension_numbers<[1], [0], [0], [1], [0, 0, 1, 1], [], []>, transpose_lhs_hint = false} : vector<128x64xf32>, vector<64x64xf32>, vector<128x64xf32> -> vector<128x64xf32>
    %mul3A_234 = arith.mulf %dot_general3A_233, %get3A_223 : vector<128x64xf32>
    %reduce_sum3A_235 = arith.constant dense<0.000000e+00> : vector<128xf32>
    %reduce_sum3A_236 = vector.multi_reduction <add>, %mul3A_234, %reduce_sum3A_235 [1] : vector<128x64xf32> to vector<128xf32>
    %broadcast_in_dim3A_237 = vector.shape_cast %reduce_sum3A_236 : vector<128xf32> to vector<128x1xf32>
    %get3A_238 = arith.constant 1792 : index
    %get3A_239 = arith.constant 0 : index
    %get3A_240 = vector.load %arg3[%get3A_238, %get3A_239] : memref<2048x64xf32, #tpu.memory_space<vmem>>, vector<128x64xf32>
    %get3A_241 = arith.constant 0 : index
    %get3A_242 = arith.constant 896 : index
    %get3A_243 = vector.load %arg1[%get3A_241, %get3A_242] : memref<80x1024xf32, #tpu.memory_space<vmem>>, vector<64x64xf32>
    %get3A_244 = arith.constant 78 : index
    %get3A_245 = arith.constant 896 : index
    %get3A_246 = vector.load %arg1[%get3A_244, %get3A_245] : memref<80x1024xf32, #tpu.memory_space<vmem>>, vector<1x64xf32>
    %dot_general3A_247 = arith.constant dense<0.000000e+00> : vector<128x1xf32>
    %dot_general3A_248 = tpu.matmul %get3A_240, %get3A_246, %dot_general3A_247 {dimension_numbers = #tpu.dot_dimension_numbers<[1], [1], [0], [0], [0, 0, 1, 0], [], []>, transpose_lhs_hint = false} : vector<128x64xf32>, vector<1x64xf32>, vector<128x1xf32> -> vector<128x1xf32>
    %dot_general3A_249 = arith.constant dense<0.000000e+00> : vector<128x64xf32>
    %dot_general3A_250 = tpu.matmul %get3A_240, %get3A_243, %dot_general3A_249 {dimension_numbers = #tpu.dot_dimension_numbers<[1], [0], [0], [1], [0, 0, 1, 1], [], []>, transpose_lhs_hint = false} : vector<128x64xf32>, vector<64x64xf32>, vector<128x64xf32> -> vector<128x64xf32>
    %mul3A_251 = arith.mulf %dot_general3A_250, %get3A_240 : vector<128x64xf32>
    %reduce_sum3A_252 = arith.constant dense<0.000000e+00> : vector<128xf32>
    %reduce_sum3A_253 = vector.multi_reduction <add>, %mul3A_251, %reduce_sum3A_252 [1] : vector<128x64xf32> to vector<128xf32>
    %broadcast_in_dim3A_254 = vector.shape_cast %reduce_sum3A_253 : vector<128xf32> to vector<128x1xf32>
    %get3A_255 = arith.constant 1920 : index
    %get3A_256 = arith.constant 0 : index
    %get3A_257 = vector.load %arg3[%get3A_255, %get3A_256] : memref<2048x64xf32, #tpu.memory_space<vmem>>, vector<128x64xf32>
    %get3A_258 = arith.constant 0 : index
    %get3A_259 = arith.constant 960 : index
    %get3A_260 = vector.load %arg1[%get3A_258, %get3A_259] : memref<80x1024xf32, #tpu.memory_space<vmem>>, vector<64x64xf32>
    %get3A_261 = arith.constant 79 : index
    %get3A_262 = arith.constant 960 : index
    %get3A_263 = vector.load %arg1[%get3A_261, %get3A_262] : memref<80x1024xf32, #tpu.memory_space<vmem>>, vector<1x64xf32>
    %dot_general3A_264 = arith.constant dense<0.000000e+00> : vector<128x1xf32>
    %dot_general3A_265 = tpu.matmul %get3A_257, %get3A_263, %dot_general3A_264 {dimension_numbers = #tpu.dot_dimension_numbers<[1], [1], [0], [0], [0, 0, 1, 0], [], []>, transpose_lhs_hint = false} : vector<128x64xf32>, vector<1x64xf32>, vector<128x1xf32> -> vector<128x1xf32>
    %dot_general3A_266 = arith.constant dense<0.000000e+00> : vector<128x64xf32>
    %dot_general3A_267 = tpu.matmul %get3A_257, %get3A_260, %dot_general3A_266 {dimension_numbers = #tpu.dot_dimension_numbers<[1], [0], [0], [1], [0, 0, 1, 1], [], []>, transpose_lhs_hint = false} : vector<128x64xf32>, vector<64x64xf32>, vector<128x64xf32> -> vector<128x64xf32>
    %mul3A_268 = arith.mulf %dot_general3A_267, %get3A_257 : vector<128x64xf32>
    %reduce_sum3A_269 = arith.constant dense<0.000000e+00> : vector<128xf32>
    %reduce_sum3A_270 = vector.multi_reduction <add>, %mul3A_268, %reduce_sum3A_269 [1] : vector<128x64xf32> to vector<128xf32>
    %broadcast_in_dim3A_271 = vector.shape_cast %reduce_sum3A_270 : vector<128xf32> to vector<128x1xf32>
    %concatenate3A = tpu.concatenate %dot_general3A_13, %dot_general3A_27, %dot_general3A_44, %dot_general3A_61, %dot_general3A_78, %dot_general3A_95, %dot_general3A_112, %dot_general3A_129, %dot_general3A_146, %dot_general3A_163, %dot_general3A_180, %dot_general3A_197, %dot_general3A_214, %dot_general3A_231, %dot_general3A_248, %dot_general3A_265 in 0 : vector<128x1xf32>, vector<128x1xf32>, vector<128x1xf32>, vector<128x1xf32>, vector<128x1xf32>, vector<128x1xf32>, vector<128x1xf32>, vector<128x1xf32>, vector<128x1xf32>, vector<128x1xf32>, vector<128x1xf32>, vector<128x1xf32>, vector<128x1xf32>, vector<128x1xf32>, vector<128x1xf32>, vector<128x1xf32> -> vector<2048x1xf32>
    %reduce_sum3A_272 = arith.constant dense<0.000000e+00> : vector<2048xf32>
    %reduce_sum3A_273 = vector.multi_reduction <add>, %concatenate3A, %reduce_sum3A_272 [1] : vector<2048x1xf32> to vector<2048xf32>
    %reshape3A_274 = vector.shape_cast %reduce_sum3A_273 : vector<2048xf32> to vector<16x128xf32>
    %concatenate3A_275 = tpu.concatenate %broadcast_in_dim3A, %broadcast_in_dim3A_33, %broadcast_in_dim3A_50, %broadcast_in_dim3A_67, %broadcast_in_dim3A_84, %broadcast_in_dim3A_101, %broadcast_in_dim3A_118, %broadcast_in_dim3A_135, %broadcast_in_dim3A_152, %broadcast_in_dim3A_169, %broadcast_in_dim3A_186, %broadcast_in_dim3A_203, %broadcast_in_dim3A_220, %broadcast_in_dim3A_237, %broadcast_in_dim3A_254, %broadcast_in_dim3A_271 in 0 : vector<128x1xf32>, vector<128x1xf32>, vector<128x1xf32>, vector<128x1xf32>, vector<128x1xf32>, vector<128x1xf32>, vector<128x1xf32>, vector<128x1xf32>, vector<128x1xf32>, vector<128x1xf32>, vector<128x1xf32>, vector<128x1xf32>, vector<128x1xf32>, vector<128x1xf32>, vector<128x1xf32>, vector<128x1xf32> -> vector<2048x1xf32>
    %reduce_sum3A_276 = arith.constant dense<0.000000e+00> : vector<2048xf32>
    %reduce_sum3A_277 = vector.multi_reduction <add>, %concatenate3A_275, %reduce_sum3A_276 [1] : vector<2048x1xf32> to vector<2048xf32>
    %reshape3A_278 = vector.shape_cast %reduce_sum3A_277 : vector<2048xf32> to vector<16x128xf32>
    %get3A_279 = arith.constant 0 : index
    %get3A_280 = arith.constant 0 : index
    %get3A_281 = vector.load %arg4[%get3A_279, %get3A_280] : memref<16x128xf32, #tpu.memory_space<vmem>>, vector<16x128xf32>
    %mul3A_282 = vector.broadcast %reshape3A : vector<16x1xf32> to vector<16x128xf32>
    %mul3A_283 = arith.mulf %mul3A_282, %get3A_281 : vector<16x128xf32>
    %add3A = arith.addf %reshape3A_274, %mul3A_283 : vector<16x128xf32>
    %div3A = vector.broadcast %max3A_3 : vector<16x1xf32> to vector<16x128xf32>
    %div3A_284 = arith.divf %add3A, %div3A : vector<16x128xf32>
    %mul3A_285 = arith.constant 2.000000e+00 : f32
    %mul3A_286 = vector.broadcast %mul3A_285 : f32 to vector<16x128xf32>
    %mul3A_287 = arith.mulf %mul3A_286, %get3A_281 : vector<16x128xf32>
    %mul3A_288 = arith.mulf %mul3A_287, %reshape3A_274 : vector<16x128xf32>
    %add3A_289 = arith.addf %reshape3A_278, %mul3A_288 : vector<16x128xf32>
    %mul3A_290 = vector.broadcast %reshape3A : vector<16x1xf32> to vector<16x128xf32>
    %mul3A_291 = arith.mulf %mul3A_290, %get3A_281 : vector<16x128xf32>
    %mul3A_292 = arith.mulf %mul3A_291, %get3A_281 : vector<16x128xf32>
    %add3A_293 = arith.addf %add3A_289, %mul3A_292 : vector<16x128xf32>
    %div3A_294 = vector.broadcast %max3A_3 : vector<16x1xf32> to vector<16x128xf32>
    %div3A_295 = arith.divf %add3A_293, %div3A_294 : vector<16x128xf32>
    %mul3A_296 = arith.mulf %div3A_284, %div3A_284 : vector<16x128xf32>
    %sub3A = arith.subf %div3A_295, %mul3A_296 : vector<16x128xf32>
    %max3A_297 = arith.constant 0.000000e+00 : f32
    %max3A_298 = vector.broadcast %max3A_297 : f32 to vector<16x128xf32>
    %max3A_299 = arith.maximumf %sub3A, %max3A_298 : vector<16x128xf32>
    %add3A_300 = arith.constant 9.99999974E-6 : f32
    %add3A_301 = vector.broadcast %add3A_300 : f32 to vector<16x128xf32>
    %add3A_302 = arith.addf %max3A_299, %add3A_301 : vector<16x128xf32>
    %rsqrt3A = math.rsqrt %add3A_302 : vector<16x128xf32>
    %get3A_303 = arith.constant 0 : index
    %get3A_304 = arith.constant 0 : index
    %get3A_305 = vector.load %arg5[%get3A_303, %get3A_304] : memref<16x128xf32, #tpu.memory_space<vmem>>, vector<16x128xf32>
    %get3A_306 = arith.constant 0 : index
    %get3A_307 = arith.constant 0 : index
    %get3A_308 = vector.load %arg6[%get3A_306, %get3A_307] : memref<16x128xf32, #tpu.memory_space<vmem>>, vector<16x128xf32>
    %get3A_309 = arith.constant 0 : index
    %get3A_310 = arith.constant 0 : index
    %get3A_311 = arith.constant 0 : index
    %get3A_312 = vector.load %arg0[%get3A_309, %get3A_310, %get3A_311] : memref<8x16x128xf32, #tpu.memory_space<vmem>>, vector<8x16x128xf32>
    %broadcast_in_dim3A_313 = vector.shape_cast %get3A_281 : vector<16x128xf32> to vector<1x16x128xf32>
    %add3A_314 = vector.broadcast %broadcast_in_dim3A_313 : vector<1x16x128xf32> to vector<8x16x128xf32>
    %add3A_315 = arith.addf %get3A_312, %add3A_314 : vector<8x16x128xf32>
    %broadcast_in_dim3A_316 = vector.shape_cast %div3A_284 : vector<16x128xf32> to vector<1x16x128xf32>
    %sub3A_317 = vector.broadcast %broadcast_in_dim3A_316 : vector<1x16x128xf32> to vector<8x16x128xf32>
    %sub3A_318 = arith.subf %add3A_315, %sub3A_317 : vector<8x16x128xf32>
    %mul3A_319 = arith.mulf %rsqrt3A, %get3A_305 : vector<16x128xf32>
    %broadcast_in_dim3A_320 = vector.shape_cast %mul3A_319 : vector<16x128xf32> to vector<1x16x128xf32>
    %mul3A_321 = vector.broadcast %broadcast_in_dim3A_320 : vector<1x16x128xf32> to vector<8x16x128xf32>
    %mul3A_322 = arith.mulf %sub3A_318, %mul3A_321 : vector<8x16x128xf32>
    %broadcast_in_dim3A_323 = vector.shape_cast %get3A_308 : vector<16x128xf32> to vector<1x16x128xf32>
    %add3A_324 = vector.broadcast %broadcast_in_dim3A_323 : vector<1x16x128xf32> to vector<8x16x128xf32>
    %add3A_325 = arith.addf %mul3A_322, %add3A_324 : vector<8x16x128xf32>
    %lt3A = arith.constant -1.000000e+29 : f32
    %lt3A_326 = vector.broadcast %lt3A : f32 to vector<8x16x128xf32>
    %lt3A_327 = arith.cmpf olt, %get3A_312, %lt3A_326 : vector<8x16x128xf32>
    %jit3A = arith.constant 0.000000e+00 : f32
    %broadcast_in_dim3A_328 = vector.broadcast %jit3A : f32 to vector<8x16x128xf32>
    %select_n3A = arith.select %lt3A_327, %broadcast_in_dim3A_328, %add3A_325 : vector<8x16x128xi1>, vector<8x16x128xf32>
    %swap3A = arith.constant 0 : index
    %swap3A_329 = arith.constant 0 : index
    %swap3A_330 = arith.constant 0 : index
    %swap3A_331 = vector.load %arg7[%swap3A, %swap3A_329, %swap3A_330] : memref<8x16x128xf32, #tpu.memory_space<vmem>>, vector<8x16x128xf32>
    tpu.vector_store %arg7[%swap3A, %swap3A_329, %swap3A_330], %select_n3A {strides = array<i32>} : memref<8x16x128xf32, #tpu.memory_space<vmem>>, vector<8x16x128xf32>,
    return
  }
}

</mosaic_0001>

<sc_bundles>
// kernel: kernel.5.cloned.1.call-start
scs
__scs_entry_jumppad:
0x0: {  	(pc) =	sbr.rel $0x88, $3  }
0x1: {  	(tag) =	ssettag $0x0;
	lr =	simm.s32 $0x1  }
0x2: {  	[smem:$0x3F9B] =	sst lr;
	_ =	strace $0xD0000000  }
0x3: {  	_ = 	snop  }
0x4: {  	_ = 	snop  }
0x5: {  	_ = 	snop  }
0x6: {  	_ = 	snop  }
0x7: {  	_ = 	snop  }
__scs_overlays_trampoline_lowered:
0x8: {  	[smem:$0x3FAA] =	sst s0  }
0x9: {  	[smem:$0x3FAB] =	sst s1  }
0xa: {  	[smem:$0x3FAC] =	sst s2  }
0xb: {  	[smem:$0x3FAD] =	sst s3  }
0xc: {  	[smem:$0x3FAE] =	sst s4  }
0xd: {  	[smem:$0x3FAF] =	sst s5  }
0xe: {  	[smem:$0x3FB0] =	sst s6  }
0xf: {  	[smem:$0x3FB1] =	sst s7  }
0x10: {  	[smem:$0x3FB2] =	sst s8  }
0x11: {  	[smem:$0x3FB3] =	sst s9;
	s0 =	simm.s32 @!p0 $0x0  }
0x12: {  	s1 =	sld [smem:$0x3F99];
	s0 =	simm.s32 @p0 $0x1  }
0x13: {  	[smem:$0x3FB4] =	sst s0;
	s0 =	simm.s32 @!p1 $0x0  }
0x14: {  	s2 =	sld [smem:$0x3F98];
	s0 =	simm.s32 @p1 $0x1  }
0x15: {  	[smem:$0x3FB5] =	sst s0;
	s0 =	simm.s32 @!p2 $0x0  }
0x16: {  	s3 =	sld [smem:$0x3FDB];
	s0 =	simm.s32 @p2 $0x1  }
0x17: {  	s4 =	simm.s32 $0x1BF5;
	[smem:$0x3FB7] =	sst s0  }
0x18: {  	s0 =	sld [smem:$0x3F9A];
	_ =	swait.ge [sflag:s4], $0x0  }
0x19: {  	s7 =	sld [smem:$0x3F9B]  }
0x1a: {  	s8 =	sadd.s32 $0xFFFFE003, lr  }
0x1b: {  	s9 =	sadd.s32 $0xFFFFFEF7, lr;
	s5 =	simm.s32 $0xFFFFFFFF;
	p2 =	slt.u32 s8, $0xFFFFF086  }
0x1c: {  	p1 =	slt.u32 s9, $0xF7A;
	s5 =	simm.s32 @!p2 $0x0  }
0x1d: {  	s5 =	simm.s32 @p1 $0x1;
	p0 =	seq.s32 s7, s2  }
0x1e: {  	s7 =	smul.u32 @!p0 $0xF7A, s2;
	p2 =	seq.s32 @!p0 s5, $0x0  }
0x1f: {  	s9 =	smul.u32 $0xF7A, s1;
	s8 =	simm.s32 @!p0 $0x1BF5;
	p2 =	por !p2, p0  }
0x20: {  	[sflag:s8] =	ssyncset.s32 @!p0 $0xFFFFF086;
	s6 =	sadd.s32 @!p0 s3, s7;
	s7 =	simm.s32 @!p0 $0x108  }
0x21: {  	s3 =	sadd.s32 s3, s9;
	s6 =	sadd.s32 @!p0 $0x88, s6;
	s7 =	simm.s32 @p2 $0x1082  }
0x22: {  	[simem:s7], [sflag:s8] =	dma.local @!p0 [hbm:s6], $0xF7A  }
0x23: {  	s9 =	sor.u32 $0xD0000000, s2;
	s6 =	simm.s32 $0x108;
	_ =	swait.ge @!p0 [sflag:s8], $0x0  }
0x24: {  	s3 =	sadd.s32 $0x88, s3;
	s6 =	simm.s32 @!p1 $0x1082;
	[sflag:s4] =	ssyncset.s32 $0xFFFFF086  }
0x25: {  	[simem:s6], [sflag:s4] =	dma.local [hbm:s3], $0xF7A  }
0x26: {  	[smem:$0x3F9B] =	sst s1;
	(tag) =	ssettag s2;
	_ =	strace s9  }
0x27: {  	s1 =	sld [smem:$0x3FAB]  }
0x28: {  	s2 =	sld [smem:$0x3FAC]  }
0x29: {  	s4 =	sld [smem:$0x3FAE]  }
0x2a: {  	p0 =	seq.s32 s5, $0x0;
	s5 =	sld [smem:$0x3FAF]  }
0x2b: {  	s6 =	sld [smem:$0x3FB0]  }
0x2c: {  	s7 =	sld [smem:$0x3FB1]  }
0x2d: {  	s3 =	simm.s32 $0x108;
	s8 =	sld [smem:$0x3FB2]  }
0x2e: {  	s3 =	simm.s32 @!p0 $0x1082;
	s9 =	sld [smem:$0x3FB3]  }
0x2f: {  	lr =	sadd.s32 s0, s3;
	s0 =	sld [smem:$0x3FAA]  }
0x30: {  	s3 =	sld [smem:$0x3FAD]  }
0x31: {  	[smem:$0x3FB6] =	sst s10  }
0x32: {  	s10 =	sld [smem:$0x3FB4];
	_ =	sdelay $0x3  }
0x33: {  	p0 =	seq.s32 s10, $0x1;
	s10 =	sld [smem:$0x3FB6];
	_ =	sdelay $0x3  }
0x34: {  	[smem:$0x3FB6] =	sst s10  }
0x35: {  	s10 =	sld [smem:$0x3FB5];
	_ =	sdelay $0x3  }
0x36: {  	p1 =	seq.s32 s10, $0x1;
	s10 =	sld [smem:$0x3FB6];
	_ =	sdelay $0x3  }
0x37: {  	[smem:$0x3FB6] =	sst s10  }
0x38: {  	s10 =	sld [smem:$0x3FB7]  }
0x39: {  	_ = 	snop;
	(pc) =	sbr.ind lr, $3  }
0x3a: {  	_ = 	snop  }
0x3b: {  	_ = 	snop  }
0x3c: {  	p2 =	seq.s32 s10, $0x1;
	s10 =	sld [smem:$0x3FB6]  }
0x3d: {  	_ =	shalt  }
0x3e: {  	_ =	shalt  }
0x3f: {  	_ =	shalt  }
0x40: {  	_ =	shalt  }
0x41: {  	_ =	shalt  }
0x42: {  	_ =	shalt  }
0x43: {  	_ =	shalt  }
0x44: {  	_ =	shalt  }
0x45: {  	_ =	shalt  }
0x46: {  	_ =	shalt  }
0x47: {  	_ =	shalt  }
0x48: {  	_ =	shalt  }
0x49: {  	_ =	shalt  }
0x4a: {  	_ =	shalt  }
0x4b: {  	_ =	shalt  }
0x4c: {  	_ =	shalt  }
0x4d: {  	_ =	shalt  }
0x4e: {  	_ =	shalt  }
0x4f: {  	_ =	shalt  }
0x50: {  	_ =	shalt  }
0x51: {  	_ =	shalt  }
0x52: {  	_ =	shalt  }
0x53: {  	_ =	shalt  }
0x54: {  	_ =	shalt  }
0x55: {  	_ =	shalt  }
0x56: {  	_ =	shalt  }
0x57: {  	_ =	shalt  }
0x58: {  	_ =	shalt  }
0x59: {  	_ =	shalt  }
0x5a: {  	_ =	shalt  }
0x5b: {  	_ =	shalt  }
0x5c: {  	_ =	shalt  }
0x5d: {  	_ =	shalt  }
0x5e: {  	_ =	shalt  }
0x5f: {  	_ =	shalt  }
0x60: {  	_ =	shalt  }
0x61: {  	_ =	shalt  }
0x62: {  	_ =	shalt  }
0x63: {  	_ =	shalt  }
0x64: {  	_ =	shalt  }
0x65: {  	_ =	shalt  }
0x66: {  	_ =	shalt  }
0x67: {  	_ =	shalt  }
0x68: {  	_ =	shalt  }
0x69: {  	_ =	shalt  }
0x6a: {  	_ =	shalt  }
0x6b: {  	_ =	shalt  }
0x6c: {  	_ =	shalt  }
0x6d: {  	_ =	shalt  }
0x6e: {  	_ =	shalt  }
0x6f: {  	_ =	shalt  }
0x70: {  	_ =	shalt  }
0x71: {  	_ =	shalt  }
0x72: {  	_ =	shalt  }
0x73: {  	_ =	shalt  }
0x74: {  	_ =	shalt  }
0x75: {  	_ =	shalt  }
0x76: {  	_ =	shalt  }
0x77: {  	_ =	shalt  }
0x78: {  	_ =	shalt  }
0x79: {  	_ =	shalt  }
0x7a: {  	_ =	shalt  }
0x7b: {  	_ =	shalt  }
0x7c: {  	_ =	shalt  }
0x7d: {  	_ =	shalt  }
0x7e: {  	_ =	shalt  }
0x7f: {  	_ =	shalt  }
0x80: {  	_ =	shalt  }
0x81: {  	_ =	shalt  }
0x82: {  	_ =	shalt  }
0x83: {  	_ =	shalt  }
0x84: {  	_ =	shalt  }
0x85: {  	_ =	shalt  }
0x86: {  	_ =	shalt  }
0x87: {  	_ =	shalt  }
.Lfunc_end0:
.L_simem_size_0:
called_computation_lowered:
.L_overlay_start_0:
0x88: {  	s2 =	sld [smem:$0x3FD9]  }
0x89: {  	s3 =	sld [smem:$0x3FFE];
	_ =	sdelay $0x1  }
0x8a: {  	s1 =	srdreg.scid  }
0x8b: {  	s0 =	sand.u32 $0x1, s1  }
0x8c: {  	s17 =	sshll.u32 s0, $0xA;
	s2 =	sadd.s32 s3, s2  }
0x8d: {  	s2 =	sadd.s32 s2, s17  }
0x8e: {  	[smem:$0x3FC2] =	sst s2  }
0x8f: {  	_ = 	snop  }
0x90: {  	s2 =	sld [smem:$0x3FC8]  }
0x91: {  	s18 =	sld [smem:$0x3FD0];
	(tm) =	ssettm $0x1  }
0x92: {  	s4 =	sld [smem:$0x3FFB];
	_ =	sdelay $0x3  }
0x93: {  	_ =	strace s4  }
0x94: {  	s4 =	sld [smem:$0x3FFC];
	_ =	sdelay $0x3  }
0x95: {  	_ =	strace s4  }
0x96: {  	s4 =	sld [smem:$0x3FFD];
	_ =	sdelay $0x3  }
0x97: {  	_ =	strace s4  }
0x98: {  	_ =	strace $0x8FFFFFFF  }
0x99: {  	s19 =	sld [smem:$0x3FDB];
	_ =	sdelay $0x1  }
0x9a: {  	s5 =	simm.s32 $_scs_section_size  }
0x9b: {  	s6 =	simm.s32 $_size__tile_overlayer_lowered;
	s7 =	simm.s32 $_tile_overlayer_lowered  }
0x9c: {  	s22 =	simm.s32 $0x1BFF;
	s21 =	sshll.u32 s7, $0x1;
	s4 =	sadd.s32 s5, s19  }
0x9d: {  	s8 =	simm.s32 $0x0;
	s20 =	sshll.u32 s6, $0x1;
	s6 =	sadd.s32 s21, s4  }
0x9e: {  	[timem:s8], [sflag:s22] =	dma.local [hbm:s6], s20  }
0x9f: {  	_ =	swait.ge [sflag:s22], s20  }
0xa0: {  	s5 =	ssub.s32 $0x0, s20;
	[sflag:s22] =	ssyncset.done $0x0  }
0xa1: {  	[sflag:s22] =	ssyncadd.s32 s5;
	_ =	sdelay $0x1  }
0xa2: {  	s23 =	simm.s32 $0x1B8B  }
0xa3: {  	_ =	swait.ge [sflag:s23], $0x1  }
0xa4: {  	[sflag:s23] =	ssyncset.done $0x0  }
0xa5: {  	s25 =	simm.s32 $0x1B8E;
	s24 =	sld [smem:$0x3FFE];
	[sflag:s23] =	ssyncadd.s32 $0xFFFFFFFF  }
0xa6: {  	s26 =	simm.s32 $execute0_lowered;
	[smem:$0x3FD2] =	sst s25  }
0xa7: {  	s6 =	sshll.u32 s26, $0x1;
	_ =	strace $0x80000046;
	[dreg:$0x1] =	wrdreg $0xFFFFFFFF  }
0xa8: {  	s28 =	simm.s32 $_size_execute0_lowered;
	s4 =	sadd.s32 s4, s6;
	[dreg:$0x0] =	wrdreg $0x0  }
0xa9: {  	s6 =	sshll.u32 s28, $0x1;
	[dreg:$0x2] =	wrdreg s4  }
0xaa: {  	[dreg:$0x3] =	wrdreg s6  }
0xab: {  	[dreg:$0x4] =	wrdreg $0xC0  }
0xac: {  	_ =	task [dreg:s8], $0x5FFFF  }
0xad: {  	[dreg:$0x1] =	wrdreg $0xFFFFFFFF  }
0xae: {  	[dreg:$0x0] =	wrdreg $0x60  }
0xaf: {  	[dreg:$0x2] =	wrdreg s24  }
0xb0: {  	[dreg:$0x3] =	wrdreg s2  }
0xb1: {  	[dreg:$0x4] =	wrdreg s18  }
0xb2: {  	[dreg:$0x5] =	wrdreg $0x9  }
0xb3: {  	_ =	task.clear_ibuf [dreg:s8], $0x6FFFF;
	_ =	strace $0x90000046  }
0xb4: {  	s29 =	simm.s32 $0x9;
	_ =	strace $0x80000048  }
0xb5: {  	_ =	swait.ge [sflag:s29], $0x1  }
0xb6: {  	[sflag:s29] =	ssyncadd.s32 $0xFFFFFFFF  }
0xb7: {  	_ =	strace $0x90000048  }
0xb8: {  	_ =	sfence  }
0xb9: {  	s30 =	sld [smem:$0x0];
	_ =	sdelay $0x2  }
0xba: {  	s31 =	sshll.u32 s1, $0xD;
	s1 =	sshrl.u32 s1, $0x2  }
0xbb: {  	s3 =	sand.u32 $0x4000, s31;
	s1 =	sadd.s32 s1, s30  }
0xbc: {  	s0 =	sor.u32 s3, s0;
	s1 =	sshll.u32 s1, $0x11  }
0xbd: {  	s0 =	sor.u32 s1, s0  }
0xbe: {  	s0 =	sadd.s32 $0x8F2B, s0  }
0xbf: {  	[sflag:s0] =	ssyncadd.remote.s32 $0x1  }
0xc0: {  	_ =	sfence.sel $0xFFFF  }
0xc1: {  	[dreg:$0x0] =	wrdreg $0xFFFFFFFF;
	(pc) =	sbr.abs _section_cstart, $3  }
0xc2: {  	[dreg:$0x1] =	wrdreg $0xFFFFFFFF  }
0xc3: {  	_ =	task.clear_ibuf [dreg:s8], $0x2FFFF;
	_ =	strace $0x9FFFFFFF  }
0xc4: {  	(tm) =	ssettm $0x7FFFFFFF  }
0xc5: {  	_ =	shalt  }
tec
execute0_lowered:
.L_overlay_start_1:
0x0: {  	(tag) =	ssettag $0x1  }
0x1: {  	s5 =	rddreg [dreg:$0x0]  }
0x2: {  	s1 =	rddreg [dreg:$0x1]  }
0x3: {  	s2 =	rddreg [dreg:$0x2]  }
0x4: {  	s0 =	rddreg [dreg:$0x3];
	s4 =	simm.s32 $0x0;
	s6 =	srdreg.scid  }
0x5: {  	s3 =	stileid.u32;
	s12 =	simm.s32 $0x1;
	s13 =	simm.s32 $0x4000  }
0x6: {  	s14 =	simm.s32 $0x20000;
	s15 =	simm.s32 $0x1000;
	s16 =	simm.s32 $0x0  }
0x7: {  	[smem:$0x7FF] =	sst s4;
	s6 =	sand.u32 $0x1, s6;
	s8 =	sshrl.u32 s3, $0x1  }
0x8: {  	s11 =	sshll.u32 s3, $0x1;
	_ =	strace $0x80000047;
	s7 =	ssub.s32 $0x2, s6  }
0x9: {  	s9 =	sshll.u32 s8, $0x4;
	s30 =	sand.u32 $0x2, s11;
	s10 =	sshrl.u32 s7, $0x1  }
0xa: {  	s9 =	sadd.s32 s9, s5;
	s11 =	sor.u32 s6, s30;
	s5 =	sshll.u32 s8, $0x7  }
0xb: {  	s8 =	sshll.u32 s8, $0x15;
	s10 =	ssub.s32 s7, s10;
	s6 =	sadd.s32 $0xC00, s9  }
0xc: {  	s7 =	sshll.u32 s11, $0x9;
	s31 =	sshll.u32 s11, $0x13;
	s11 =	simm.s32 $0x400  }
0xd: {  	s8 =	sor.u32 s8, s31;
	s9 =	smax.u32 s10, $0x1;
	s10 =	simm.s32 $0x80  }
.LBB2_1:
0xe: {  	[tilespmem:s4], [sflag:$0x1] =	stream.strided.gather [hbm4b:s6+s10], $0x800, s11, s10, $0x38;
	[tilespmem:$0x11000] =	vst v63  }
0xf: {  	_ =	swait.ge [sflag:s12], $0x800  }
0x10: {  	[sflag:s12] =	ssyncset.done $0x0  }
0x11: {  	s17 =	simm.s32 $0x0;
	[sflag:s12] =	ssyncadd.s32 $0xFFFFF800  }
.LBB2_2:
0x12: {  	s18 =	sshll.u32 s17, $0xE  }
0x13: {  	s19 =	sor.u32 s5, s18  }
0x14: {  	s19 =	sshrl.u32 s19, $0x3  }
0x15: {  	s20 =	sadd.s32 s1, s19;
	s19 =	simm.s32 $0x800  }
0x16: {  	[tilespmem:s19], [sflag:$0x1] =	stream.strided.gather [hbm4b:s20+s10], $0x800, s11, s10, $0x38;
	[tilespmem:$0x11000] =	vst v63  }
0x17: {  	_ =	swait.ge [sflag:s12], $0x800  }
0x18: {  	[sflag:s12] =	ssyncset.done $0x0  }
0x19: {  	[sflag:s12] =	ssyncadd.s32 $0xFFFFF800  }
0x1a: {  	v0 =	vld [tilespmem:s19+$0x0];
	_ =	sdelay $0x3  }
0x1b: {  	v1 =	vld [tilespmem:s7+$0x0]  }
0x1c: {  	v0 =	vtrunc.f32 v0  }
0x1d: {  	v0 =	vcvt.f32.s32 v0;
	_ =	sdelay $0x1  }
0x1e: {  	s20 =	simm.s32 $0x0;
	v0 =	vand.u32 $0xF, v0  }
0x1f: {  	s21 =	sand.u32 $0x70, s20;
	s22 =	sand.u32 $0x3C00, s20;
	v1 =	vperm.xlane v1, v0  }
0x20: {  	s21 =	sor.u32 s21, s22  }
0x21: {  	[tilespmem:s21+$0x1000] =	vst v1  }
0x22: {  	v1 =	vld [tilespmem:s7+$0x10];
	_ =	sdelay $0x4  }
0x23: {  	v1 =	vperm.xlane v1, v0;
	_ =	sdelay $0x1  }
0x24: {  	[tilespmem:s21+$0x1080] =	vst v1  }
0x25: {  	v1 =	vld [tilespmem:s7+$0x20];
	_ =	sdelay $0x4  }
0x26: {  	v1 =	vperm.xlane v1, v0;
	_ =	sdelay $0x1  }
0x27: {  	[tilespmem:s21+$0x1100] =	vst v1  }
0x28: {  	v1 =	vld [tilespmem:s7+$0x30];
	_ =	sdelay $0x4  }
0x29: {  	v1 =	vperm.xlane v1, v0;
	_ =	sdelay $0x1  }
0x2a: {  	[tilespmem:s21+$0x1180] =	vst v1  }
0x2b: {  	v1 =	vld [tilespmem:s7+$0x40];
	_ =	sdelay $0x4  }
0x2c: {  	v1 =	vperm.xlane v1, v0;
	_ =	sdelay $0x1  }
0x2d: {  	[tilespmem:s21+$0x1200] =	vst v1  }
0x2e: {  	v1 =	vld [tilespmem:s7+$0x50];
	_ =	sdelay $0x4  }
0x2f: {  	v1 =	vperm.xlane v1, v0;
	_ =	sdelay $0x1  }
0x30: {  	[tilespmem:s21+$0x1280] =	vst v1  }
0x31: {  	v1 =	vld [tilespmem:s7+$0x60];
	_ =	sdelay $0x4  }
0x32: {  	v1 =	vperm.xlane v1, v0;
	_ =	sdelay $0x1  }
0x33: {  	[tilespmem:s21+$0x1300] =	vst v1  }
0x34: {  	v1 =	vld [tilespmem:s7+$0x70];
	_ =	sdelay $0x2  }
0x35: {  	s31 =	sand.u32 $0x7, s20  }
0x36: {  	s22 =	sshll.u32 s31, $0x4  }
0x37: {  	s22 =	sadd.s32 $0x0, s22;
	v1 =	vperm.xlane v1, v0  }
0x38: {  	s22 =	sor.u32 $0x380, s22  }
0x39: {  	[tilespmem:s22+$0x1000] =	vst v1  }
0x3a: {  	v1 =	vld [tilespmem:s7+$0x80];
	_ =	sdelay $0x4  }
0x3b: {  	v1 =	vperm.xlane v1, v0;
	_ =	sdelay $0x1  }
0x3c: {  	[tilespmem:s21+$0x5000] =	vst v1  }
0x3d: {  	v1 =	vld [tilespmem:s7+$0x90];
	_ =	sdelay $0x4  }
0x3e: {  	v1 =	vperm.xlane v1, v0;
	_ =	sdelay $0x1  }
0x3f: {  	[tilespmem:s21+$0x5080] =	vst v1  }
0x40: {  	v1 =	vld [tilespmem:s7+$0xA0];
	_ =	sdelay $0x4  }
0x41: {  	v1 =	vperm.xlane v1, v0;
	_ =	sdelay $0x1  }
0x42: {  	[tilespmem:s21+$0x5100] =	vst v1  }
0x43: {  	v1 =	vld [tilespmem:s7+$0xB0];
	_ =	sdelay $0x4  }
0x44: {  	v1 =	vperm.xlane v1, v0;
	_ =	sdelay $0x1  }
0x45: {  	[tilespmem:s21+$0x5180] =	vst v1  }
0x46: {  	v1 =	vld [tilespmem:s7+$0xC0];
	_ =	sdelay $0x4  }
0x47: {  	v1 =	vperm.xlane v1, v0;
	_ =	sdelay $0x1  }
0x48: {  	[tilespmem:s21+$0x5200] =	vst v1  }
0x49: {  	v1 =	vld [tilespmem:s7+$0xD0];
	_ =	sdelay $0x4  }
0x4a: {  	v1 =	vperm.xlane v1, v0;
	_ =	sdelay $0x1  }
0x4b: {  	[tilespmem:s21+$0x5280] =	vst v1  }
0x4c: {  	v1 =	vld [tilespmem:s7+$0xE0];
	_ =	sdelay $0x4  }
0x4d: {  	v1 =	vperm.xlane v1, v0;
	_ =	sdelay $0x1  }
0x4e: {  	[tilespmem:s21+$0x5300] =	vst v1  }
0x4f: {  	v1 =	vld [tilespmem:s7+$0xF0];
	_ =	sdelay $0x4  }
0x50: {  	v1 =	vperm.xlane v1, v0;
	_ =	sdelay $0x1  }
0x51: {  	[tilespmem:s21+$0x5380] =	vst v1  }
0x52: {  	v1 =	vld [tilespmem:s7+$0x100];
	_ =	sdelay $0x4  }
0x53: {  	v1 =	vperm.xlane v1, v0;
	_ =	sdelay $0x1  }
0x54: {  	[tilespmem:s21+$0x9000] =	vst v1  }
0x55: {  	v1 =	vld [tilespmem:s7+$0x110];
	_ =	sdelay $0x4  }
0x56: {  	v1 =	vperm.xlane v1, v0;
	_ =	sdelay $0x1  }
0x57: {  	[tilespmem:s21+$0x9080] =	vst v1  }
0x58: {  	v1 =	vld [tilespmem:s7+$0x120];
	_ =	sdelay $0x4  }
0x59: {  	v1 =	vperm.xlane v1, v0;
	_ =	sdelay $0x1  }
0x5a: {  	[tilespmem:s21+$0x9100] =	vst v1  }
0x5b: {  	v1 =	vld [tilespmem:s7+$0x130];
	_ =	sdelay $0x4  }
0x5c: {  	v1 =	vperm.xlane v1, v0;
	_ =	sdelay $0x1  }
0x5d: {  	[tilespmem:s21+$0x9180] =	vst v1  }
0x5e: {  	v1 =	vld [tilespmem:s7+$0x140];
	_ =	sdelay $0x4  }
0x5f: {  	v1 =	vperm.xlane v1, v0;
	_ =	sdelay $0x1  }
0x60: {  	[tilespmem:s21+$0x9200] =	vst v1  }
0x61: {  	v1 =	vld [tilespmem:s7+$0x150];
	_ =	sdelay $0x4  }
0x62: {  	v1 =	vperm.xlane v1, v0;
	_ =	sdelay $0x1  }
0x63: {  	[tilespmem:s21+$0x9280] =	vst v1  }
0x64: {  	v1 =	vld [tilespmem:s7+$0x160];
	_ =	sdelay $0x4  }
0x65: {  	v1 =	vperm.xlane v1, v0;
	_ =	sdelay $0x1  }
0x66: {  	[tilespmem:s21+$0x9300] =	vst v1  }
0x67: {  	v1 =	vld [tilespmem:s7+$0x170];
	_ =	sdelay $0x4  }
0x68: {  	v1 =	vperm.xlane v1, v0;
	_ =	sdelay $0x1  }
0x69: {  	[tilespmem:s21+$0x9380] =	vst v1  }
0x6a: {  	v1 =	vld [tilespmem:s7+$0x180];
	_ =	sdelay $0x4  }
0x6b: {  	v1 =	vperm.xlane v1, v0;
	_ =	sdelay $0x1  }
0x6c: {  	[tilespmem:s21+$0xD000] =	vst v1  }
0x6d: {  	v1 =	vld [tilespmem:s7+$0x190];
	_ =	sdelay $0x4  }
0x6e: {  	v1 =	vperm.xlane v1, v0;
	_ =	sdelay $0x1  }
0x6f: {  	[tilespmem:s21+$0xD080] =	vst v1  }
0x70: {  	v1 =	vld [tilespmem:s7+$0x1A0];
	_ =	sdelay $0x4  }
0x71: {  	v1 =	vperm.xlane v1, v0;
	_ =	sdelay $0x1  }
0x72: {  	[tilespmem:s21+$0xD100] =	vst v1  }
0x73: {  	v1 =	vld [tilespmem:s7+$0x1B0];
	_ =	sdelay $0x4  }
0x74: {  	v1 =	vperm.xlane v1, v0;
	_ =	sdelay $0x1  }
0x75: {  	[tilespmem:s21+$0xD180] =	vst v1  }
0x76: {  	v1 =	vld [tilespmem:s7+$0x1C0];
	_ =	sdelay $0x4  }
0x77: {  	v1 =	vperm.xlane v1, v0;
	_ =	sdelay $0x1  }
0x78: {  	[tilespmem:s21+$0xD200] =	vst v1  }
0x79: {  	v1 =	vld [tilespmem:s7+$0x1D0];
	_ =	sdelay $0x4  }
0x7a: {  	v1 =	vperm.xlane v1, v0;
	_ =	sdelay $0x1  }
0x7b: {  	[tilespmem:s21+$0xD280] =	vst v1  }
0x7c: {  	v1 =	vld [tilespmem:s7+$0x1E0];
	_ =	sdelay $0x4  }
0x7d: {  	v1 =	vperm.xlane v1, v0;
	_ =	sdelay $0x1  }
0x7e: {  	[tilespmem:s21+$0xD300] =	vst v1  }
0x7f: {  	v1 =	vld [tilespmem:s7+$0x1F0];
	_ =	sdelay $0x4  }
0x80: {  	s23 =	simm.s32 $0x0;
	s22 =	simm.s32 $0x10;
	v0 =	vperm.xlane v1, v0  }
.LBB2_3:
0x81: {  	_ = 	snop  }
0x82: {  	s20 =	sadd.s32 $0x80, s20;
	s23 =	sadd.s32 $0x1, s23;
	s19 =	sadd.s32 $0x10, s19;
	[tilespmem:s21+$0xD380] =	vst v0  }
0x83: {  	p0 =	sne.s32 s22, $0x7F0;
	s21 =	smov.u32 s22;
	s22 =	sadd.s32 $0x10, s22;
	v0 =	vld [tilespmem:s19+$0x0]  }
0x84: {  	_ =	sdelay $0x2  }
0x85: {  	v1 =	vld [tilespmem:s7+$0x0]  }
0x86: {  	v0 =	vtrunc.f32 v0  }
0x87: {  	v0 =	vcvt.f32.s32 v0;
	_ =	sdelay $0x1  }
0x88: {  	v0 =	vand.u32 $0xF, v0  }
0x89: {  	s24 =	sand.u32 $0x3C00, s20;
	s21 =	sand.u32 $0x70, s21;
	v1 =	vperm.xlane v1, v0  }
0x8a: {  	s21 =	sor.u32 s21, s24  }
0x8b: {  	[tilespmem:s21+$0x1000] =	vst v1  }
0x8c: {  	v1 =	vld [tilespmem:s7+$0x10];
	_ =	sdelay $0x4  }
0x8d: {  	v1 =	vperm.xlane v1, v0;
	_ =	sdelay $0x1  }
0x8e: {  	[tilespmem:s21+$0x1080] =	vst v1  }
0x8f: {  	v1 =	vld [tilespmem:s7+$0x20];
	_ =	sdelay $0x4  }
0x90: {  	v1 =	vperm.xlane v1, v0;
	_ =	sdelay $0x1  }
0x91: {  	[tilespmem:s21+$0x1100] =	vst v1  }
0x92: {  	v1 =	vld [tilespmem:s7+$0x30];
	_ =	sdelay $0x4  }
0x93: {  	v1 =	vperm.xlane v1, v0;
	_ =	sdelay $0x1  }
0x94: {  	[tilespmem:s21+$0x1180] =	vst v1  }
0x95: {  	v1 =	vld [tilespmem:s7+$0x40];
	_ =	sdelay $0x4  }
0x96: {  	v1 =	vperm.xlane v1, v0;
	_ =	sdelay $0x1  }
0x97: {  	[tilespmem:s21+$0x1200] =	vst v1  }
0x98: {  	v1 =	vld [tilespmem:s7+$0x50];
	_ =	sdelay $0x4  }
0x99: {  	v1 =	vperm.xlane v1, v0;
	_ =	sdelay $0x1  }
0x9a: {  	[tilespmem:s21+$0x1280] =	vst v1  }
0x9b: {  	v1 =	vld [tilespmem:s7+$0x60];
	_ =	sdelay $0x4  }
0x9c: {  	v1 =	vperm.xlane v1, v0;
	_ =	sdelay $0x1  }
0x9d: {  	[tilespmem:s21+$0x1300] =	vst v1  }
0x9e: {  	v1 =	vld [tilespmem:s7+$0x70];
	_ =	sdelay $0x2  }
0x9f: {  	s24 =	sand.u32 $0x7, s23  }
0xa0: {  	s24 =	sshll.u32 s24, $0x4  }
0xa1: {  	s24 =	sadd.s32 s24, s20;
	v1 =	vperm.xlane v1, v0  }
0xa2: {  	s24 =	sor.u32 $0x380, s24  }
0xa3: {  	[tilespmem:s24+$0x1000] =	vst v1  }
0xa4: {  	v1 =	vld [tilespmem:s7+$0x80];
	_ =	sdelay $0x4  }
0xa5: {  	v1 =	vperm.xlane v1, v0;
	_ =	sdelay $0x1  }
0xa6: {  	[tilespmem:s21+$0x5000] =	vst v1  }
0xa7: {  	v1 =	vld [tilespmem:s7+$0x90];
	_ =	sdelay $0x4  }
0xa8: {  	v1 =	vperm.xlane v1, v0;
	_ =	sdelay $0x1  }
0xa9: {  	[tilespmem:s21+$0x5080] =	vst v1  }
0xaa: {  	v1 =	vld [tilespmem:s7+$0xA0];
	_ =	sdelay $0x4  }
0xab: {  	v1 =	vperm.xlane v1, v0;
	_ =	sdelay $0x1  }
0xac: {  	[tilespmem:s21+$0x5100] =	vst v1  }
0xad: {  	v1 =	vld [tilespmem:s7+$0xB0];
	_ =	sdelay $0x4  }
0xae: {  	v1 =	vperm.xlane v1, v0;
	_ =	sdelay $0x1  }
0xaf: {  	[tilespmem:s21+$0x5180] =	vst v1  }
0xb0: {  	v1 =	vld [tilespmem:s7+$0xC0];
	_ =	sdelay $0x4  }
0xb1: {  	v1 =	vperm.xlane v1, v0;
	_ =	sdelay $0x1  }
0xb2: {  	[tilespmem:s21+$0x5200] =	vst v1  }
0xb3: {  	v1 =	vld [tilespmem:s7+$0xD0];
	_ =	sdelay $0x4  }
0xb4: {  	v1 =	vperm.xlane v1, v0;
	_ =	sdelay $0x1  }
0xb5: {  	[tilespmem:s21+$0x5280] =	vst v1  }
0xb6: {  	v1 =	vld [tilespmem:s7+$0xE0];
	_ =	sdelay $0x4  }
0xb7: {  	v1 =	vperm.xlane v1, v0;
	_ =	sdelay $0x1  }
0xb8: {  	[tilespmem:s21+$0x5300] =	vst v1  }
0xb9: {  	v1 =	vld [tilespmem:s7+$0xF0];
	_ =	sdelay $0x4  }
0xba: {  	v1 =	vperm.xlane v1, v0;
	_ =	sdelay $0x1  }
0xbb: {  	[tilespmem:s21+$0x5380] =	vst v1  }
0xbc: {  	v1 =	vld [tilespmem:s7+$0x100];
	_ =	sdelay $0x4  }
0xbd: {  	v1 =	vperm.xlane v1, v0;
	_ =	sdelay $0x1  }
0xbe: {  	[tilespmem:s21+$0x9000] =	vst v1  }
0xbf: {  	v1 =	vld [tilespmem:s7+$0x110];
	_ =	sdelay $0x4  }
0xc0: {  	v1 =	vperm.xlane v1, v0;
	_ =	sdelay $0x1  }
0xc1: {  	[tilespmem:s21+$0x9080] =	vst v1  }
0xc2: {  	v1 =	vld [tilespmem:s7+$0x120];
	_ =	sdelay $0x4  }
0xc3: {  	v1 =	vperm.xlane v1, v0;
	_ =	sdelay $0x1  }
0xc4: {  	[tilespmem:s21+$0x9100] =	vst v1  }
0xc5: {  	v1 =	vld [tilespmem:s7+$0x130];
	_ =	sdelay $0x4  }
0xc6: {  	v1 =	vperm.xlane v1, v0;
	_ =	sdelay $0x1  }
0xc7: {  	[tilespmem:s21+$0x9180] =	vst v1  }
0xc8: {  	v1 =	vld [tilespmem:s7+$0x140];
	_ =	sdelay $0x4  }
0xc9: {  	v1 =	vperm.xlane v1, v0;
	_ =	sdelay $0x1  }
0xca: {  	[tilespmem:s21+$0x9200] =	vst v1  }
0xcb: {  	v1 =	vld [tilespmem:s7+$0x150];
	_ =	sdelay $0x4  }
0xcc: {  	v1 =	vperm.xlane v1, v0;
	_ =	sdelay $0x1  }
0xcd: {  	[tilespmem:s21+$0x9280] =	vst v1  }
0xce: {  	v1 =	vld [tilespmem:s7+$0x160];
	_ =	sdelay $0x4  }
0xcf: {  	v1 =	vperm.xlane v1, v0;
	_ =	sdelay $0x1  }
0xd0: {  	[tilespmem:s21+$0x9300] =	vst v1  }
0xd1: {  	v1 =	vld [tilespmem:s7+$0x170];
	_ =	sdelay $0x4  }
0xd2: {  	v1 =	vperm.xlane v1, v0;
	_ =	sdelay $0x1  }
0xd3: {  	[tilespmem:s21+$0x9380] =	vst v1  }
0xd4: {  	v1 =	vld [tilespmem:s7+$0x180];
	_ =	sdelay $0x4  }
0xd5: {  	v1 =	vperm.xlane v1, v0;
	_ =	sdelay $0x1  }
0xd6: {  	[tilespmem:s21+$0xD000] =	vst v1  }
0xd7: {  	v1 =	vld [tilespmem:s7+$0x190];
	_ =	sdelay $0x4  }
0xd8: {  	v1 =	vperm.xlane v1, v0;
	_ =	sdelay $0x1  }
0xd9: {  	[tilespmem:s21+$0xD080] =	vst v1  }
0xda: {  	v1 =	vld [tilespmem:s7+$0x1A0];
	_ =	sdelay $0x4  }
0xdb: {  	v1 =	vperm.xlane v1, v0;
	_ =	sdelay $0x1  }
0xdc: {  	[tilespmem:s21+$0xD100] =	vst v1  }
0xdd: {  	v1 =	vld [tilespmem:s7+$0x1B0];
	_ =	sdelay $0x4  }
0xde: {  	v1 =	vperm.xlane v1, v0;
	_ =	sdelay $0x1  }
0xdf: {  	[tilespmem:s21+$0xD180] =	vst v1  }
0xe0: {  	v1 =	vld [tilespmem:s7+$0x1C0];
	_ =	sdelay $0x4  }
0xe1: {  	v1 =	vperm.xlane v1, v0;
	_ =	sdelay $0x1  }
0xe2: {  	[tilespmem:s21+$0xD200] =	vst v1  }
0xe3: {  	v1 =	vld [tilespmem:s7+$0x1D0];
	_ =	sdelay $0x4  }
0xe4: {  	v1 =	vperm.xlane v1, v0;
	_ =	sdelay $0x1  }
0xe5: {  	[tilespmem:s21+$0xD280] =	vst v1  }
0xe6: {  	v1 =	vld [tilespmem:s7+$0x1E0];
	_ =	sdelay $0x4  }
0xe7: {  	v1 =	vperm.xlane v1, v0;
	_ =	sdelay $0x1  }
0xe8: {  	[tilespmem:s21+$0xD300] =	vst v1  }
0xe9: {  	v1 =	vld [tilespmem:s7+$0x1F0]  }
.Ltmp0:
0xea: {  	(pc) =	sbr.rel @p0 .LBB2_3-.Ltmp0, $2  }
0xeb: {  	_ =	sdelay $0x2  }
0xec: {  	v0 =	vperm.xlane v1, v0  }
0xed: {  	s18 =	sadd.s32 s8, s18;
	s17 =	sadd.s32 $0x1, s17  }
0xee: {  	s18 =	sshrl.u32 s18, $0x3;
	p0 =	sne.s32 s17, $0x8  }
.Ltmp1:
0xef: {  	[tilespmem:s21+$0xD380] =	vst v0;
	s18 =	sadd.s32 s2, s18;
	(pc) =	sbr.rel @p0 .LBB2_2-.Ltmp1, $4  }
0xf0: {  	[hbm4b:s18+s13] =	stream.strided.scatter [tilespmem:s15], [sflag:$0x1], $0x10000, s14, s13, $0x38;
	[tilespmem:$0x11000] =	vst v63  }
0xf1: {  	_ =	swait.ge [sflag:s12], $0x10000  }
0xf2: {  	[sflag:s12] =	ssyncset.done $0x0  }
0xf3: {  	[sflag:s12] =	ssyncadd.s32 $0xFFFF0000  }
0xf4: {  	s16 =	sadd.s32 $0x1, s16  }
0xf5: {  	p0 =	sne.s32 s16, s9  }
.Ltmp2:
0xf6: {  	_ = 	snop;
	(pc) =	sbr.rel @p0 .LBB2_1-.Ltmp2, $1  }
0xf7: {  	_ =	sdelay $0x3  }
0xf8: {  	_ =	sfence.sel $0x180000  }
0xf9: {  	[bflag:$0x0] =	sbarrier.arrive $0xFFFF  }
0xfa: {  	p0 =	sne.s32 s3, $0x0;
	_ =	strace $0x90000047  }
0xfb: {  	s0 =	sadd.s32 @!p0 $0x100000, s0;
	[bflag:$0x2] =	sbarrier.arrive $0xFFFF  }
0xfc: {  	[sflag:s0] =	ssyncadd.tile.s32 @!p0 $0x1;
	_ =	shalt  }
.Lfunc_end2:
_tile_overlayer_lowered:
.L_overlay_start_2:
0xfd: {  	(tag) =	ssettag $0x2  }
0xfe: {  	s0 =	rddreg [dreg:$0x0];
	s2 =	stileid.u32  }
0xff: {  	s1 =	rddreg [dreg:$0x1];
	p0 =	sne.s32 s2, $0x0  }
0x100: {  	s3 =	rddreg [dreg:$0x2];
	[bflag:$0x3] =	sbarrier.arrive $0xFFFF;
	s2 =	simm.s32 @!p0 $0x1C01  }
0x101: {  	[timem:s3], [sflag:s2] =	dma.local @!p0 [hbm:s0], s1  }
0x102: {  	s0 =	simm.s32 @!p0 $0x1  }
0x103: {  	_ =	swait.ge @!p0 [sflag:s0], s1  }
0x104: {  	s1 =	ssub.s32 @!p0 $0x0, s1;
	[sflag:s0] =	ssyncset.done @!p0 $0x0  }
0x105: {  	[sflag:s0] =	ssyncadd.s32 @!p0 s1  }
0x106: {  	[bflag:$0x3] =	sbarrier.arrive $0xFFFF  }
0x107: {  	_ =	shalt  }

</sc_bundles>
